<compile_context>
chip_gen: v7x
topology: tpu7x:2x2x1
jax: 0.10.2.dev20260603
libtpu: 0.0.44.dev20260713+nightly
codegen_flags: <defaults>
</compile_context>

<pallas_src>
import functools

import jax
import jax.numpy as jnp
from jax import lax
from jax.experimental import pallas as pl
from jax.experimental.pallas import tpu as pltpu
from jax.experimental.pallas import tpu_sc as plsc

_NP = 5120
_NW = 32
_CPW = _NP // _NW
_SC_C0 = 4608
_SCW = (_NP - _SC_C0) // _NW
_RV = _NP // 16
_SIGMA = 0.5

_BJ = 512
_BI = 512


_BJS = 512
_BIL = 512
_NCH = _NP // _BIL


_BIG = 3.0e38


def _tc_body(featC_ref, featT_ref, out_ref):
    p = pl.program_id(0)
    jx1 = jnp.broadcast_to(featT_ref[:, 0:1], (_BJ, _BIL))
    jy1 = jnp.broadcast_to(featT_ref[:, 1:2], (_BJ, _BIL))
    jx2 = jnp.broadcast_to(featT_ref[:, 2:3], (_BJ, _BIL))
    jy2 = jnp.broadcast_to(featT_ref[:, 3:4], (_BJ, _BIL))
    js_col = featT_ref[:, 4:5]
    jsup_col = lax.bitcast_convert_type(
        lax.bitcast_convert_type(js_col, jnp.int32) + 1, jnp.float32)
    jsb = jnp.broadcast_to(js_col, (_BJ, _BIL))
    jsup = jnp.broadcast_to(jsup_col, (_BJ, _BIL))
    ja_col = (featT_ref[:, 2:3] - featT_ref[:, 0:1]) * (
        featT_ref[:, 3:4] - featT_ref[:, 1:2])
    jab = jnp.broadcast_to(ja_col, (_BJ, _BIL))
    ilota = lax.broadcasted_iota(jnp.int32, (1, _BIL), 1)
    jiota = p * _BJ + lax.broadcasted_iota(jnp.int32, (_BJ, 1), 0)

    def chunk(r, acc):
        r0 = r * _BIL
        thr = jnp.where((r0 + ilota) < jiota, jsb, jsup)
        x1 = featC_ref[0:1, pl.ds(r0, _BIL)]
        y1 = featC_ref[1:2, pl.ds(r0, _BIL)]
        x2 = featC_ref[2:3, pl.ds(r0, _BIL)]
        y2 = featC_ref[3:4, pl.ds(r0, _BIL)]
        sv = featC_ref[4:5, pl.ds(r0, _BIL)]
        iw = jnp.maximum(jnp.minimum(x2, jx2) - jnp.maximum(x1, jx1), 0.0)
        ih = jnp.minimum(y2, jy2) - jnp.maximum(y1, jy1)
        inter = jnp.maximum(iw * ih, 1e-20)
        asum = ((x2 - x1) * (y2 - y1) + jab)
        ratio = asum / inter
        return jnp.minimum(acc, jnp.where(sv >= thr, ratio, _BIG))

    acc0 = jnp.full((_BJ, _BIL), _BIG, jnp.float32)
    acc1 = jnp.full((_BJ, _BIL), _BIG, jnp.float32)
    for r in range(0, _NCH, 2):
        acc0 = chunk(r, acc0)
        acc1 = chunk(r + 1, acc1)
    mr = jnp.min(jnp.minimum(acc0, acc1), axis=1, keepdims=True)
    m = 1.0 / (mr - 1.0)
    out_ref[...] = js_col * jnp.exp(m * m * (-1.0 / _SIGMA))


def _matrix_nms_tc(featC, featT, n_cols):
    return pl.pallas_call(
        _tc_body,
        grid=(n_cols // _BJ,),
        in_specs=[
            pl.BlockSpec((8, _NP), lambda j: (0, 0)),
            pl.BlockSpec((_BJ, 8), lambda j: (j, 0)),
        ],
        out_specs=pl.BlockSpec((_BJ, 1), lambda j: (j, 0)),
        out_shape=jax.ShapeDtypeStruct((n_cols, 1), jnp.float32),
    )(featC, featT)

_mesh = plsc.VectorSubcoreMesh(core_axis_name="c", subcore_axis_name="s")


@functools.partial(
    pl.kernel,
    mesh=_mesh,
    out_type=jax.ShapeDtypeStruct((_NP - _SC_C0,), jnp.float32),
    scratch_types=[
        pltpu.VMEM((6, _NP), jnp.float32),
        pltpu.VMEM((_SCW,), jnp.float32),
    ],
)
def _matrix_nms_sc(feat_hbm, out_hbm, feat, outv):
    cid = lax.axis_index("c")
    sid = lax.axis_index("s")
    wid = sid * 2 + cid
    base = _SC_C0 + wid * _SCW

    pltpu.sync_copy(feat_hbm, feat)

    def bcast(v, k):
        return jnp.full((16,), v[k], dtype=jnp.float32)

    def group_body(g, carry):
        gb = base + g * 16
        x1c = feat[0, pl.ds(gb, 16)]
        y1c = feat[1, pl.ds(gb, 16)]
        x2c = feat[2, pl.ds(gb, 16)]
        y2c = feat[3, pl.ds(gb, 16)]
        scc = feat[4, pl.ds(gb, 16)]
        fc = feat[5, pl.ds(gb, 16)]
        areac = (x2c - x1c) * (y2c - y1c)

        def rows_body(r, acc):
            o = r * 16
            x1 = feat[0, pl.ds(o, 16)]
            y1 = feat[1, pl.ds(o, 16)]
            x2 = feat[2, pl.ds(o, 16)]
            y2 = feat[3, pl.ds(o, 16)]
            sv = feat[4, pl.ds(o, 16)]
            fv = feat[5, pl.ds(o, 16)]
            areav = (x2 - x1) * (y2 - y1)
            for k in range(16):
                bx1 = bcast(x1, k)
                by1 = bcast(y1, k)
                bx2 = bcast(x2, k)
                by2 = bcast(y2, k)
                bs = bcast(sv, k)
                bf = bcast(fv, k)
                ba = bcast(areav, k)
                iw = jnp.maximum(
                    jnp.minimum(bx2, x2c) - jnp.maximum(bx1, x1c), 0.0)
                ih = jnp.maximum(
                    jnp.minimum(by2, y2c) - jnp.maximum(by1, y1c), 0.0)
                inter = iw * ih
                union = (ba + areac) - inter
                iou = inter / union
                keep = (bs > scc) | ((bs == scc) & (bf < fc))
                acc = jnp.maximum(acc, jnp.where(keep, iou, 0.0))
            return acc

        acc = lax.fori_loop(0, _RV, rows_body, jnp.zeros((16,), jnp.float32))
        outv[pl.ds(g * 16, 16)] = scc * jnp.exp(acc * acc * (-1.0 / _SIGMA))
        return carry

    lax.fori_loop(0, _SCW // 16, group_body, 0)
    pltpu.sync_copy(outv, out_hbm.at[pl.ds(wid * _SCW, _SCW)])


def kernel(boxes, scores):
    b = boxes.astype(jnp.float32)
    s = scores.astype(jnp.float32)
    n = s.shape[0]
    pad = _NP - n
    x1 = jnp.concatenate([b[:, 0], jnp.zeros((pad,), jnp.float32)])
    y1 = jnp.concatenate([b[:, 1], jnp.zeros((pad,), jnp.float32)])
    x2 = jnp.concatenate([b[:, 2], jnp.ones((pad,), jnp.float32)])
    y2 = jnp.concatenate([b[:, 3], jnp.ones((pad,), jnp.float32)])
    sc = jnp.concatenate([s, jnp.full((pad,), -1.0, jnp.float32)])
    idxf = jnp.arange(_NP, dtype=jnp.float32)
    z = jnp.zeros((_NP,), jnp.float32)
    featC = jnp.stack([x1, y1, x2, y2, sc, idxf, z, z])
    featT = featC.T
    out_tc = _matrix_nms_tc(featC, featT, _SC_C0)
    feat6 = jnp.stack([x1, y1, x2, y2, sc, idxf])
    out_sc = _matrix_nms_sc(feat6)
    return jnp.concatenate([out_tc[:, 0], out_sc])[:n]

# --- scband reference (transcript-rebuilt; emitter-appended) ---
"""Pipeline reference for scband-anchor-head-69698729279611 (READ-ONLY COPY).

The authoritative reference and input builder live on the scoring server;
editing this copy changes nothing except your own understanding.
"""

import jax, jax.numpy as jnp
import numpy as np

N = 5000
SIGMA = 0.5

def setup_inputs(seed: int = 0) -> dict:
    key = jax.random.key(seed)
    k1, k2, k3 = jax.random.split(key, 3)
    cxcy = jax.random.uniform(k1, (N, 2), minval=0.0, maxval=800.0)
    wh = jax.random.uniform(k2, (N, 2), minval=8.0, maxval=128.0)
    boxes = jnp.concatenate([cxcy - wh / 2.0, cxcy + wh / 2.0], axis=1)
    scores = jax.random.uniform(k3, (N,))
    return {"boxes": boxes, "scores": scores}

def pairwise_iou(b):
    x1 = jnp.maximum(b[:, None, 0], b[None, :, 0])
    y1 = jnp.maximum(b[:, None, 1], b[None, :, 1])
    x2 = jnp.minimum(b[:, None, 2], b[None, :, 2])
    y2 = jnp.minimum(b[:, None, 3], b[None, :, 3])
    inter = jnp.clip(x2 - x1, 0.0) * jnp.clip(y2 - y1, 0.0)
    area = (b[:, 2] - b[:, 0]) * (b[:, 3] - b[:, 1])
    union = area[:, None] + area[None, :] - inter
    return inter / jnp.maximum(union, 1e-9)

def reference(boxes, scores):
    # Matrix-NMS style suppression over anchor-head detections:
    # sort by score desc, compute dense pairwise IoU, decay each box's score
    # by its max IoU with any higher-scored box, scatter back to input order.
    order = jnp.argsort(-scores)
    b = jnp.take(boxes, order, axis=0)
    s = jnp.take(scores, order, axis=0)
    iou = pairwise_iou(b)
    n = s.shape[0]
    tri = jnp.triu(jnp.ones((n, n), dtype=iou.dtype), k=1)
    iou_upper = iou * tri  # iou[i, j] kept only when i is higher-scored than j
    max_iou = jnp.max(iou_upper, axis=0)
    decay = jnp.exp(-(max_iou ** 2) / SIGMA)
    decayed = s * decay
    out = jnp.zeros_like(scores).at[order].set(decayed)
    return out

if __name__ == "__main__":
    import jax
    _d = setup_inputs()
    print(jax.jit(kernel)(*tuple(_d.values())))

</pallas_src>

<mosaic_0001>
#map = affine_map<(d0, d1) -> (0, 0)>
#map1 = affine_map<(d0, d1) -> (0)>
module attributes {stable_mosaic.version = 14 : i64} {
  func.func @_matrix_nms_sc(%arg0: i32, %arg1: i32, %arg2: memref<6x5120xf32, #tpu.memory_space<hbm>>, %arg3: memref<512xf32, #tpu.memory_space<hbm>>, %arg4: memref<6x5120xf32, #tpu.memory_space<vmem>>, %arg5: memref<16xf32, #tpu.memory_space<vmem>>) attributes {dimension_semantics = [#tpu.dimension_semantics<core_parallel>, #tpu.dimension_semantics<subcore_parallel>], iteration_bounds = array<i64: 2, 16>, scalar_prefetch = 0 : i64, scratch_operands = 2 : i64, tpu.core_type = #tpu.core_type<sc_vector_subcore>, window_params = [{transform_indices = #map}, {transform_indices = #map1}]} {
    %mul3A = arith.constant 2 : i32
    %mul3A_0 = arith.muli %arg1, %mul3A : i32
    %add3A = arith.addi %mul3A_0, %arg0 : i32
    %mul3A_1 = arith.constant 16 : i32
    %mul3A_2 = arith.muli %add3A, %mul3A_1 : i32
    %add3A_3 = arith.constant 4608 : i32
    %add3A_4 = arith.addi %add3A_3, %mul3A_2 : i32
    "tpu.region"() ({
      %run_scoped3A = tpu.sem_alloc : memref<!tpu.dma_semaphore, #tpu.memory_space<semaphore_mem>>
      tpu.enqueue_dma source(%arg2 : memref<6x5120xf32, #tpu.memory_space<hbm>>) target(%arg4 : memref<6x5120xf32, #tpu.memory_space<vmem>>) target_semaphore(%run_scoped3A : memref<!tpu.dma_semaphore, #tpu.memory_space<semaphore_mem>>)
      tpu.wait_dma2 semaphore(%run_scoped3A : memref<!tpu.dma_semaphore, #tpu.memory_space<semaphore_mem>>) src(%arg2 : memref<6x5120xf32, #tpu.memory_space<hbm>>) dst(%arg4 : memref<6x5120xf32, #tpu.memory_space<vmem>>)
      tpu.yield
    }) : () -> ()
    %scan3A = arith.constant 0 : i32
    %scan3A_5 = arith.constant 0 : i32
    %mul3A_6 = arith.constant 16 : i32
    %mul3A_7 = arith.muli %scan3A_5, %mul3A_6 : i32
    %add3A_8 = arith.addi %add3A_4, %mul3A_7 : i32
    %get3A = arith.constant 0 : i32
    %get3A_9 = arith.index_cast %get3A : i32 to index
    %get3A_10 = arith.index_cast %add3A_8 : i32 to index
    %get3A_11 = tpu.vector_load %arg4[%get3A_9, %get3A_10] {strides = array<i32>} : memref<6x5120xf32, #tpu.memory_space<vmem>>, vector<1x16xf32>,
    %get3A_12 = vector.shape_cast %get3A_11 : vector<1x16xf32> to vector<16xf32>
    %get3A_13 = arith.constant 1 : i32
    %get3A_14 = arith.index_cast %get3A_13 : i32 to index
    %get3A_15 = arith.index_cast %add3A_8 : i32 to index
    %get3A_16 = tpu.vector_load %arg4[%get3A_14, %get3A_15] {strides = array<i32>} : memref<6x5120xf32, #tpu.memory_space<vmem>>, vector<1x16xf32>,
    %get3A_17 = vector.shape_cast %get3A_16 : vector<1x16xf32> to vector<16xf32>
    %get3A_18 = arith.constant 2 : i32
    %get3A_19 = arith.index_cast %get3A_18 : i32 to index
    %get3A_20 = arith.index_cast %add3A_8 : i32 to index
    %get3A_21 = tpu.vector_load %arg4[%get3A_19, %get3A_20] {strides = array<i32>} : memref<6x5120xf32, #tpu.memory_space<vmem>>, vector<1x16xf32>,
    %get3A_22 = vector.shape_cast %get3A_21 : vector<1x16xf32> to vector<16xf32>
    %get3A_23 = arith.constant 3 : i32
    %get3A_24 = arith.index_cast %get3A_23 : i32 to index
    %get3A_25 = arith.index_cast %add3A_8 : i32 to index
    %get3A_26 = tpu.vector_load %arg4[%get3A_24, %get3A_25] {strides = array<i32>} : memref<6x5120xf32, #tpu.memory_space<vmem>>, vector<1x16xf32>,
    %get3A_27 = vector.shape_cast %get3A_26 : vector<1x16xf32> to vector<16xf32>
    %get3A_28 = arith.constant 4 : i32
    %get3A_29 = arith.index_cast %get3A_28 : i32 to index
    %get3A_30 = arith.index_cast %add3A_8 : i32 to index
    %get3A_31 = tpu.vector_load %arg4[%get3A_29, %get3A_30] {strides = array<i32>} : memref<6x5120xf32, #tpu.memory_space<vmem>>, vector<1x16xf32>,
    %get3A_32 = vector.shape_cast %get3A_31 : vector<1x16xf32> to vector<16xf32>
    %get3A_33 = arith.constant 5 : i32
    %get3A_34 = arith.index_cast %get3A_33 : i32 to index
    %get3A_35 = arith.index_cast %add3A_8 : i32 to index
    %get3A_36 = tpu.vector_load %arg4[%get3A_34, %get3A_35] {strides = array<i32>} : memref<6x5120xf32, #tpu.memory_space<vmem>>, vector<1x16xf32>,
    %get3A_37 = vector.shape_cast %get3A_36 : vector<1x16xf32> to vector<16xf32>
    %sub3A = arith.subf %get3A_22, %get3A_12 : vector<16xf32>
    %sub3A_38 = arith.subf %get3A_27, %get3A_17 : vector<16xf32>
    %mul3A_39 = arith.mulf %sub3A, %sub3A_38 : vector<16xf32>
    %broadcast_in_dim3A = arith.constant 0.000000e+00 : f32
    %broadcast_in_dim3A_40 = vector.broadcast %broadcast_in_dim3A : f32 to vector<16xf32>
    %scan3A_41 = arith.constant 0 : i32
    %scan3A_42 = arith.constant 320 : i32
    %scan3A_43 = arith.addi %scan3A_41, %scan3A_42 : i32
    %scan3A_44 = arith.constant 1 : i32
    %scan3A_45 = scf.for %scan3A_60 = %scan3A_41 to %scan3A_43 step %scan3A_44 iter_args(%scan3A_61 = %broadcast_in_dim3A_40) -> (vector<16xf32>)  : i32 {
      %mul3A_62 = arith.constant 16 : i32
      %mul3A_63 = arith.muli %scan3A_60, %mul3A_62 : i32
      %get3A_64 = arith.constant 0 : i32
      %get3A_65 = arith.index_cast %get3A_64 : i32 to index
      %get3A_66 = arith.index_cast %mul3A_63 : i32 to index
      %get3A_67 = tpu.vector_load %arg4[%get3A_65, %get3A_66] {strides = array<i32>} : memref<6x5120xf32, #tpu.memory_space<vmem>>, vector<1x16xf32>,
      %get3A_68 = vector.shape_cast %get3A_67 : vector<1x16xf32> to vector<16xf32>
      %get3A_69 = arith.constant 1 : i32
      %get3A_70 = arith.index_cast %get3A_69 : i32 to index
      %get3A_71 = arith.index_cast %mul3A_63 : i32 to index
      %get3A_72 = tpu.vector_load %arg4[%get3A_70, %get3A_71] {strides = array<i32>} : memref<6x5120xf32, #tpu.memory_space<vmem>>, vector<1x16xf32>,
      %get3A_73 = vector.shape_cast %get3A_72 : vector<1x16xf32> to vector<16xf32>
      %get3A_74 = arith.constant 2 : i32
      %get3A_75 = arith.index_cast %get3A_74 : i32 to index
      %get3A_76 = arith.index_cast %mul3A_63 : i32 to index
      %get3A_77 = tpu.vector_load %arg4[%get3A_75, %get3A_76] {strides = array<i32>} : memref<6x5120xf32, #tpu.memory_space<vmem>>, vector<1x16xf32>,
      %get3A_78 = vector.shape_cast %get3A_77 : vector<1x16xf32> to vector<16xf32>
      %get3A_79 = arith.constant 3 : i32
      %get3A_80 = arith.index_cast %get3A_79 : i32 to index
      %get3A_81 = arith.index_cast %mul3A_63 : i32 to index
      %get3A_82 = tpu.vector_load %arg4[%get3A_80, %get3A_81] {strides = array<i32>} : memref<6x5120xf32, #tpu.memory_space<vmem>>, vector<1x16xf32>,
      %get3A_83 = vector.shape_cast %get3A_82 : vector<1x16xf32> to vector<16xf32>
      %get3A_84 = arith.constant 4 : i32
      %get3A_85 = arith.index_cast %get3A_84 : i32 to index
      %get3A_86 = arith.index_cast %mul3A_63 : i32 to index
      %get3A_87 = tpu.vector_load %arg4[%get3A_85, %get3A_86] {strides = array<i32>} : memref<6x5120xf32, #tpu.memory_space<vmem>>, vector<1x16xf32>,
      %get3A_88 = vector.shape_cast %get3A_87 : vector<1x16xf32> to vector<16xf32>
      %get3A_89 = arith.constant 5 : i32
      %get3A_90 = arith.index_cast %get3A_89 : i32 to index
      %get3A_91 = arith.index_cast %mul3A_63 : i32 to index
      %get3A_92 = tpu.vector_load %arg4[%get3A_90, %get3A_91] {strides = array<i32>} : memref<6x5120xf32, #tpu.memory_space<vmem>>, vector<1x16xf32>,
      %get3A_93 = vector.shape_cast %get3A_92 : vector<1x16xf32> to vector<16xf32>
      %sub3A_94 = arith.subf %get3A_78, %get3A_68 : vector<16xf32>
      %sub3A_95 = arith.subf %get3A_83, %get3A_73 : vector<16xf32>
      %mul3A_96 = arith.mulf %sub3A_94, %sub3A_95 : vector<16xf32>
      %slice3A = vector.extract_strided_slice %get3A_68 {offsets = [0], sizes = [1], strides = [1]} : vector<16xf32> to vector<1xf32>
      %squeeze3A = vector.extract %slice3A[0] : f32 from vector<1xf32>
      %broadcast_in_dim3A_97 = vector.broadcast %squeeze3A : f32 to vector<16xf32>
      %slice3A_98 = vector.extract_strided_slice %get3A_73 {offsets = [0], sizes = [1], strides = [1]} : vector<16xf32> to vector<1xf32>
      %squeeze3A_99 = vector.extract %slice3A_98[0] : f32 from vector<1xf32>
      %broadcast_in_dim3A_100 = vector.broadcast %squeeze3A_99 : f32 to vector<16xf32>
      %slice3A_101 = vector.extract_strided_slice %get3A_78 {offsets = [0], sizes = [1], strides = [1]} : vector<16xf32> to vector<1xf32>
      %squeeze3A_102 = vector.extract %slice3A_101[0] : f32 from vector<1xf32>
      %broadcast_in_dim3A_103 = vector.broadcast %squeeze3A_102 : f32 to vector<16xf32>
      %slice3A_104 = vector.extract_strided_slice %get3A_83 {offsets = [0], sizes = [1], strides = [1]} : vector<16xf32> to vector<1xf32>
      %squeeze3A_105 = vector.extract %slice3A_104[0] : f32 from vector<1xf32>
      %broadcast_in_dim3A_106 = vector.broadcast %squeeze3A_105 : f32 to vector<16xf32>
      %slice3A_107 = vector.extract_strided_slice %get3A_88 {offsets = [0], sizes = [1], strides = [1]} : vector<16xf32> to vector<1xf32>
      %squeeze3A_108 = vector.extract %slice3A_107[0] : f32 from vector<1xf32>
      %broadcast_in_dim3A_109 = vector.broadcast %squeeze3A_108 : f32 to vector<16xf32>
      %slice3A_110 = vector.extract_strided_slice %get3A_93 {offsets = [0], sizes = [1], strides = [1]} : vector<16xf32> to vector<1xf32>
      %squeeze3A_111 = vector.extract %slice3A_110[0] : f32 from vector<1xf32>
      %broadcast_in_dim3A_112 = vector.broadcast %squeeze3A_111 : f32 to vector<16xf32>
      %slice3A_113 = vector.extract_strided_slice %mul3A_96 {offsets = [0], sizes = [1], strides = [1]} : vector<16xf32> to vector<1xf32>
      %squeeze3A_114 = vector.extract %slice3A_113[0] : f32 from vector<1xf32>
      %broadcast_in_dim3A_115 = vector.broadcast %squeeze3A_114 : f32 to vector<16xf32>
      %min3A = arith.minimumf %broadcast_in_dim3A_103, %get3A_22 : vector<16xf32>
      %max3A = arith.maximumf %broadcast_in_dim3A_97, %get3A_12 : vector<16xf32>
      %sub3A_116 = arith.subf %min3A, %max3A : vector<16xf32>
      %max3A_117 = arith.constant 0.000000e+00 : f32
      %max3A_118 = vector.broadcast %max3A_117 : f32 to vector<16xf32>
      %max3A_119 = arith.maximumf %sub3A_116, %max3A_118 : vector<16xf32>
      %min3A_120 = arith.minimumf %broadcast_in_dim3A_106, %get3A_27 : vector<16xf32>
      %max3A_121 = arith.maximumf %broadcast_in_dim3A_100, %get3A_17 : vector<16xf32>
      %sub3A_122 = arith.subf %min3A_120, %max3A_121 : vector<16xf32>
      %max3A_123 = arith.constant 0.000000e+00 : f32
      %max3A_124 = vector.broadcast %max3A_123 : f32 to vector<16xf32>
      %max3A_125 = arith.maximumf %sub3A_122, %max3A_124 : vector<16xf32>
      %mul3A_126 = arith.mulf %max3A_119, %max3A_125 : vector<16xf32>
      %add3A_127 = arith.addf %broadcast_in_dim3A_115, %mul3A_39 : vector<16xf32>
      %sub3A_128 = arith.subf %add3A_127, %mul3A_126 : vector<16xf32>
      %div3A = arith.divf %mul3A_126, %sub3A_128 : vector<16xf32>
      %gt3A = arith.cmpf ogt, %broadcast_in_dim3A_109, %get3A_32 : vector<16xf32>
      %eq3A = arith.cmpf oeq, %broadcast_in_dim3A_109, %get3A_32 : vector<16xf32>
      %lt3A = arith.cmpf olt, %broadcast_in_dim3A_112, %get3A_37 : vector<16xf32>
      %and3A = arith.andi %eq3A, %lt3A : vector<16xi1>
      %or3A = arith.ori %gt3A, %and3A : vector<16xi1>
      %jit3A = arith.constant 0.000000e+00 : f32
      %broadcast_in_dim3A_129 = vector.broadcast %jit3A : f32 to vector<16xf32>
      %select_n3A = arith.select %or3A, %div3A, %broadcast_in_dim3A_129 : vector<16xi1>, vector<16xf32>
      %max3A_130 = arith.maximumf %scan3A_61, %select_n3A : vector<16xf32>
      %slice3A_131 = vector.extract_strided_slice %get3A_68 {offsets = [1], sizes = [1], strides = [1]} : vector<16xf32> to vector<1xf32>
      %squeeze3A_132 = vector.extract %slice3A_131[0] : f32 from vector<1xf32>
      %broadcast_in_dim3A_133 = vector.broadcast %squeeze3A_132 : f32 to vector<16xf32>
      %slice3A_134 = vector.extract_strided_slice %get3A_73 {offsets = [1], sizes = [1], strides = [1]} : vector<16xf32> to vector<1xf32>
      %squeeze3A_135 = vector.extract %slice3A_134[0] : f32 from vector<1xf32>
      %broadcast_in_dim3A_136 = vector.broadcast %squeeze3A_135 : f32 to vector<16xf32>
      %slice3A_137 = vector.extract_strided_slice %get3A_78 {offsets = [1], sizes = [1], strides = [1]} : vector<16xf32> to vector<1xf32>
      %squeeze3A_138 = vector.extract %slice3A_137[0] : f32 from vector<1xf32>
      %broadcast_in_dim3A_139 = vector.broadcast %squeeze3A_138 : f32 to vector<16xf32>
      %slice3A_140 = vector.extract_strided_slice %get3A_83 {offsets = [1], sizes = [1], strides = [1]} : vector<16xf32> to vector<1xf32>
      %squeeze3A_141 = vector.extract %slice3A_140[0] : f32 from vector<1xf32>
      %broadcast_in_dim3A_142 = vector.broadcast %squeeze3A_141 : f32 to vector<16xf32>
      %slice3A_143 = vector.extract_strided_slice %get3A_88 {offsets = [1], sizes = [1], strides = [1]} : vector<16xf32> to vector<1xf32>
      %squeeze3A_144 = vector.extract %slice3A_143[0] : f32 from vector<1xf32>
      %broadcast_in_dim3A_145 = vector.broadcast %squeeze3A_144 : f32 to vector<16xf32>
      %slice3A_146 = vector.extract_strided_slice %get3A_93 {offsets = [1], sizes = [1], strides = [1]} : vector<16xf32> to vector<1xf32>
      %squeeze3A_147 = vector.extract %slice3A_146[0] : f32 from vector<1xf32>
      %broadcast_in_dim3A_148 = vector.broadcast %squeeze3A_147 : f32 to vector<16xf32>
      %slice3A_149 = vector.extract_strided_slice %mul3A_96 {offsets = [1], sizes = [1], strides = [1]} : vector<16xf32> to vector<1xf32>
      %squeeze3A_150 = vector.extract %slice3A_149[0] : f32 from vector<1xf32>
      %broadcast_in_dim3A_151 = vector.broadcast %squeeze3A_150 : f32 to vector<16xf32>
      %min3A_152 = arith.minimumf %broadcast_in_dim3A_139, %get3A_22 : vector<16xf32>
      %max3A_153 = arith.maximumf %broadcast_in_dim3A_133, %get3A_12 : vector<16xf32>
      %sub3A_154 = arith.subf %min3A_152, %max3A_153 : vector<16xf32>
      %max3A_155 = arith.constant 0.000000e+00 : f32
      %max3A_156 = vector.broadcast %max3A_155 : f32 to vector<16xf32>
      %max3A_157 = arith.maximumf %sub3A_154, %max3A_156 : vector<16xf32>
      %min3A_158 = arith.minimumf %broadcast_in_dim3A_142, %get3A_27 : vector<16xf32>
      %max3A_159 = arith.maximumf %broadcast_in_dim3A_136, %get3A_17 : vector<16xf32>
      %sub3A_160 = arith.subf %min3A_158, %max3A_159 : vector<16xf32>
      %max3A_161 = arith.constant 0.000000e+00 : f32
      %max3A_162 = vector.broadcast %max3A_161 : f32 to vector<16xf32>
      %max3A_163 = arith.maximumf %sub3A_160, %max3A_162 : vector<16xf32>
      %mul3A_164 = arith.mulf %max3A_157, %max3A_163 : vector<16xf32>
      %add3A_165 = arith.addf %broadcast_in_dim3A_151, %mul3A_39 : vector<16xf32>
      %sub3A_166 = arith.subf %add3A_165, %mul3A_164 : vector<16xf32>
      %div3A_167 = arith.divf %mul3A_164, %sub3A_166 : vector<16xf32>
      %gt3A_168 = arith.cmpf ogt, %broadcast_in_dim3A_145, %get3A_32 : vector<16xf32>
      %eq3A_169 = arith.cmpf oeq, %broadcast_in_dim3A_145, %get3A_32 : vector<16xf32>
      %lt3A_170 = arith.cmpf olt, %broadcast_in_dim3A_148, %get3A_37 : vector<16xf32>
      %and3A_171 = arith.andi %eq3A_169, %lt3A_170 : vector<16xi1>
      %or3A_172 = arith.ori %gt3A_168, %and3A_171 : vector<16xi1>
      %jit3A_173 = arith.constant 0.000000e+00 : f32
      %broadcast_in_dim3A_174 = vector.broadcast %jit3A_173 : f32 to vector<16xf32>
      %select_n3A_175 = arith.select %or3A_172, %div3A_167, %broadcast_in_dim3A_174 : vector<16xi1>, vector<16xf32>
      %max3A_176 = arith.maximumf %max3A_130, %select_n3A_175 : vector<16xf32>
      %slice3A_177 = vector.extract_strided_slice %get3A_68 {offsets = [2], sizes = [1], strides = [1]} : vector<16xf32> to vector<1xf32>
      %squeeze3A_178 = vector.extract %slice3A_177[0] : f32 from vector<1xf32>
      %broadcast_in_dim3A_179 = vector.broadcast %squeeze3A_178 : f32 to vector<16xf32>
      %slice3A_180 = vector.extract_strided_slice %get3A_73 {offsets = [2], sizes = [1], strides = [1]} : vector<16xf32> to vector<1xf32>
      %squeeze3A_181 = vector.extract %slice3A_180[0] : f32 from vector<1xf32>
      %broadcast_in_dim3A_182 = vector.broadcast %squeeze3A_181 : f32 to vector<16xf32>
      %slice3A_183 = vector.extract_strided_slice %get3A_78 {offsets = [2], sizes = [1], strides = [1]} : vector<16xf32> to vector<1xf32>
      %squeeze3A_184 = vector.extract %slice3A_183[0] : f32 from vector<1xf32>
      %broadcast_in_dim3A_185 = vector.broadcast %squeeze3A_184 : f32 to vector<16xf32>
      %slice3A_186 = vector.extract_strided_slice %get3A_83 {offsets = [2], sizes = [1], strides = [1]} : vector<16xf32> to vector<1xf32>
      %squeeze3A_187 = vector.extract %slice3A_186[0] : f32 from vector<1xf32>
      %broadcast_in_dim3A_188 = vector.broadcast %squeeze3A_187 : f32 to vector<16xf32>
      %slice3A_189 = vector.extract_strided_slice %get3A_88 {offsets = [2], sizes = [1], strides = [1]} : vector<16xf32> to vector<1xf32>
      %squeeze3A_190 = vector.extract %slice3A_189[0] : f32 from vector<1xf32>
      %broadcast_in_dim3A_191 = vector.broadcast %squeeze3A_190 : f32 to vector<16xf32>
      %slice3A_192 = vector.extract_strided_slice %get3A_93 {offsets = [2], sizes = [1], strides = [1]} : vector<16xf32> to vector<1xf32>
      %squeeze3A_193 = vector.extract %slice3A_192[0] : f32 from vector<1xf32>
      %broadcast_in_dim3A_194 = vector.broadcast %squeeze3A_193 : f32 to vector<16xf32>
      %slice3A_195 = vector.extract_strided_slice %mul3A_96 {offsets = [2], sizes = [1], strides = [1]} : vector<16xf32> to vector<1xf32>
      %squeeze3A_196 = vector.extract %slice3A_195[0] : f32 from vector<1xf32>
      %broadcast_in_dim3A_197 = vector.broadcast %squeeze3A_196 : f32 to vector<16xf32>
      %min3A_198 = arith.minimumf %broadcast_in_dim3A_185, %get3A_22 : vector<16xf32>
      %max3A_199 = arith.maximumf %broadcast_in_dim3A_179, %get3A_12 : vector<16xf32>
      %sub3A_200 = arith.subf %min3A_198, %max3A_199 : vector<16xf32>
      %max3A_201 = arith.constant 0.000000e+00 : f32
      %max3A_202 = vector.broadcast %max3A_201 : f32 to vector<16xf32>
      %max3A_203 = arith.maximumf %sub3A_200, %max3A_202 : vector<16xf32>
      %min3A_204 = arith.minimumf %broadcast_in_dim3A_188, %get3A_27 : vector<16xf32>
      %max3A_205 = arith.maximumf %broadcast_in_dim3A_182, %get3A_17 : vector<16xf32>
      %sub3A_206 = arith.subf %min3A_204, %max3A_205 : vector<16xf32>
      %max3A_207 = arith.constant 0.000000e+00 : f32
      %max3A_208 = vector.broadcast %max3A_207 : f32 to vector<16xf32>
      %max3A_209 = arith.maximumf %sub3A_206, %max3A_208 : vector<16xf32>
      %mul3A_210 = arith.mulf %max3A_203, %max3A_209 : vector<16xf32>
      %add3A_211 = arith.addf %broadcast_in_dim3A_197, %mul3A_39 : vector<16xf32>
      %sub3A_212 = arith.subf %add3A_211, %mul3A_210 : vector<16xf32>
      %div3A_213 = arith.divf %mul3A_210, %sub3A_212 : vector<16xf32>
      %gt3A_214 = arith.cmpf ogt, %broadcast_in_dim3A_191, %get3A_32 : vector<16xf32>
      %eq3A_215 = arith.cmpf oeq, %broadcast_in_dim3A_191, %get3A_32 : vector<16xf32>
      %lt3A_216 = arith.cmpf olt, %broadcast_in_dim3A_194, %get3A_37 : vector<16xf32>
      %and3A_217 = arith.andi %eq3A_215, %lt3A_216 : vector<16xi1>
      %or3A_218 = arith.ori %gt3A_214, %and3A_217 : vector<16xi1>
      %jit3A_219 = arith.constant 0.000000e+00 : f32
      %broadcast_in_dim3A_220 = vector.broadcast %jit3A_219 : f32 to vector<16xf32>
      %select_n3A_221 = arith.select %or3A_218, %div3A_213, %broadcast_in_dim3A_220 : vector<16xi1>, vector<16xf32>
      %max3A_222 = arith.maximumf %max3A_176, %select_n3A_221 : vector<16xf32>
      %slice3A_223 = vector.extract_strided_slice %get3A_68 {offsets = [3], sizes = [1], strides = [1]} : vector<16xf32> to vector<1xf32>
      %squeeze3A_224 = vector.extract %slice3A_223[0] : f32 from vector<1xf32>
      %broadcast_in_dim3A_225 = vector.broadcast %squeeze3A_224 : f32 to vector<16xf32>
      %slice3A_226 = vector.extract_strided_slice %get3A_73 {offsets = [3], sizes = [1], strides = [1]} : vector<16xf32> to vector<1xf32>
      %squeeze3A_227 = vector.extract %slice3A_226[0] : f32 from vector<1xf32>
      %broadcast_in_dim3A_228 = vector.broadcast %squeeze3A_227 : f32 to vector<16xf32>
      %slice3A_229 = vector.extract_strided_slice %get3A_78 {offsets = [3], sizes = [1], strides = [1]} : vector<16xf32> to vector<1xf32>
      %squeeze3A_230 = vector.extract %slice3A_229[0] : f32 from vector<1xf32>
      %broadcast_in_dim3A_231 = vector.broadcast %squeeze3A_230 : f32 to vector<16xf32>
      %slice3A_232 = vector.extract_strided_slice %get3A_83 {offsets = [3], sizes = [1], strides = [1]} : vector<16xf32> to vector<1xf32>
      %squeeze3A_233 = vector.extract %slice3A_232[0] : f32 from vector<1xf32>
      %broadcast_in_dim3A_234 = vector.broadcast %squeeze3A_233 : f32 to vector<16xf32>
      %slice3A_235 = vector.extract_strided_slice %get3A_88 {offsets = [3], sizes = [1], strides = [1]} : vector<16xf32> to vector<1xf32>
      %squeeze3A_236 = vector.extract %slice3A_235[0] : f32 from vector<1xf32>
      %broadcast_in_dim3A_237 = vector.broadcast %squeeze3A_236 : f32 to vector<16xf32>
      %slice3A_238 = vector.extract_strided_slice %get3A_93 {offsets = [3], sizes = [1], strides = [1]} : vector<16xf32> to vector<1xf32>
      %squeeze3A_239 = vector.extract %slice3A_238[0] : f32 from vector<1xf32>
      %broadcast_in_dim3A_240 = vector.broadcast %squeeze3A_239 : f32 to vector<16xf32>
      %slice3A_241 = vector.extract_strided_slice %mul3A_96 {offsets = [3], sizes = [1], strides = [1]} : vector<16xf32> to vector<1xf32>
      %squeeze3A_242 = vector.extract %slice3A_241[0] : f32 from vector<1xf32>
      %broadcast_in_dim3A_243 = vector.broadcast %squeeze3A_242 : f32 to vector<16xf32>
      %min3A_244 = arith.minimumf %broadcast_in_dim3A_231, %get3A_22 : vector<16xf32>
      %max3A_245 = arith.maximumf %broadcast_in_dim3A_225, %get3A_12 : vector<16xf32>
      %sub3A_246 = arith.subf %min3A_244, %max3A_245 : vector<16xf32>
      %max3A_247 = arith.constant 0.000000e+00 : f32
      %max3A_248 = vector.broadcast %max3A_247 : f32 to vector<16xf32>
      %max3A_249 = arith.maximumf %sub3A_246, %max3A_248 : vector<16xf32>
      %min3A_250 = arith.minimumf %broadcast_in_dim3A_234, %get3A_27 : vector<16xf32>
      %max3A_251 = arith.maximumf %broadcast_in_dim3A_228, %get3A_17 : vector<16xf32>
      %sub3A_252 = arith.subf %min3A_250, %max3A_251 : vector<16xf32>
      %max3A_253 = arith.constant 0.000000e+00 : f32
      %max3A_254 = vector.broadcast %max3A_253 : f32 to vector<16xf32>
      %max3A_255 = arith.maximumf %sub3A_252, %max3A_254 : vector<16xf32>
      %mul3A_256 = arith.mulf %max3A_249, %max3A_255 : vector<16xf32>
      %add3A_257 = arith.addf %broadcast_in_dim3A_243, %mul3A_39 : vector<16xf32>
      %sub3A_258 = arith.subf %add3A_257, %mul3A_256 : vector<16xf32>
      %div3A_259 = arith.divf %mul3A_256, %sub3A_258 : vector<16xf32>
      %gt3A_260 = arith.cmpf ogt, %broadcast_in_dim3A_237, %get3A_32 : vector<16xf32>
      %eq3A_261 = arith.cmpf oeq, %broadcast_in_dim3A_237, %get3A_32 : vector<16xf32>
      %lt3A_262 = arith.cmpf olt, %broadcast_in_dim3A_240, %get3A_37 : vector<16xf32>
      %and3A_263 = arith.andi %eq3A_261, %lt3A_262 : vector<16xi1>
      %or3A_264 = arith.ori %gt3A_260, %and3A_263 : vector<16xi1>
      %jit3A_265 = arith.constant 0.000000e+00 : f32
      %broadcast_in_dim3A_266 = vector.broadcast %jit3A_265 : f32 to vector<16xf32>
      %select_n3A_267 = arith.select %or3A_264, %div3A_259, %broadcast_in_dim3A_266 : vector<16xi1>, vector<16xf32>
      %max3A_268 = arith.maximumf %max3A_222, %select_n3A_267 : vector<16xf32>
      %slice3A_269 = vector.extract_strided_slice %get3A_68 {offsets = [4], sizes = [1], strides = [1]} : vector<16xf32> to vector<1xf32>
      %squeeze3A_270 = vector.extract %slice3A_269[0] : f32 from vector<1xf32>
      %broadcast_in_dim3A_271 = vector.broadcast %squeeze3A_270 : f32 to vector<16xf32>
      %slice3A_272 = vector.extract_strided_slice %get3A_73 {offsets = [4], sizes = [1], strides = [1]} : vector<16xf32> to vector<1xf32>
      %squeeze3A_273 = vector.extract %slice3A_272[0] : f32 from vector<1xf32>
      %broadcast_in_dim3A_274 = vector.broadcast %squeeze3A_273 : f32 to vector<16xf32>
      %slice3A_275 = vector.extract_strided_slice %get3A_78 {offsets = [4], sizes = [1], strides = [1]} : vector<16xf32> to vector<1xf32>
      %squeeze3A_276 = vector.extract %slice3A_275[0] : f32 from vector<1xf32>
      %broadcast_in_dim3A_277 = vector.broadcast %squeeze3A_276 : f32 to vector<16xf32>
      %slice3A_278 = vector.extract_strided_slice %get3A_83 {offsets = [4], sizes = [1], strides = [1]} : vector<16xf32> to vector<1xf32>
      %squeeze3A_279 = vector.extract %slice3A_278[0] : f32 from vector<1xf32>
      %broadcast_in_dim3A_280 = vector.broadcast %squeeze3A_279 : f32 to vector<16xf32>
      %slice3A_281 = vector.extract_strided_slice %get3A_88 {offsets = [4], sizes = [1], strides = [1]} : vector<16xf32> to vector<1xf32>
      %squeeze3A_282 = vector.extract %slice3A_281[0] : f32 from vector<1xf32>
      %broadcast_in_dim3A_283 = vector.broadcast %squeeze3A_282 : f32 to vector<16xf32>
      %slice3A_284 = vector.extract_strided_slice %get3A_93 {offsets = [4], sizes = [1], strides = [1]} : vector<16xf32> to vector<1xf32>
      %squeeze3A_285 = vector.extract %slice3A_284[0] : f32 from vector<1xf32>
      %broadcast_in_dim3A_286 = vector.broadcast %squeeze3A_285 : f32 to vector<16xf32>
      %slice3A_287 = vector.extract_strided_slice %mul3A_96 {offsets = [4], sizes = [1], strides = [1]} : vector<16xf32> to vector<1xf32>
      %squeeze3A_288 = vector.extract %slice3A_287[0] : f32 from vector<1xf32>
      %broadcast_in_dim3A_289 = vector.broadcast %squeeze3A_288 : f32 to vector<16xf32>
      %min3A_290 = arith.minimumf %broadcast_in_dim3A_277, %get3A_22 : vector<16xf32>
      %max3A_291 = arith.maximumf %broadcast_in_dim3A_271, %get3A_12 : vector<16xf32>
      %sub3A_292 = arith.subf %min3A_290, %max3A_291 : vector<16xf32>
      %max3A_293 = arith.constant 0.000000e+00 : f32
      %max3A_294 = vector.broadcast %max3A_293 : f32 to vector<16xf32>
      %max3A_295 = arith.maximumf %sub3A_292, %max3A_294 : vector<16xf32>
      %min3A_296 = arith.minimumf %broadcast_in_dim3A_280, %get3A_27 : vector<16xf32>
      %max3A_297 = arith.maximumf %broadcast_in_dim3A_274, %get3A_17 : vector<16xf32>
      %sub3A_298 = arith.subf %min3A_296, %max3A_297 : vector<16xf32>
      %max3A_299 = arith.constant 0.000000e+00 : f32
      %max3A_300 = vector.broadcast %max3A_299 : f32 to vector<16xf32>
      %max3A_301 = arith.maximumf %sub3A_298, %max3A_300 : vector<16xf32>
      %mul3A_302 = arith.mulf %max3A_295, %max3A_301 : vector<16xf32>
      %add3A_303 = arith.addf %broadcast_in_dim3A_289, %mul3A_39 : vector<16xf32>
      %sub3A_304 = arith.subf %add3A_303, %mul3A_302 : vector<16xf32>
      %div3A_305 = arith.divf %mul3A_302, %sub3A_304 : vector<16xf32>
      %gt3A_306 = arith.cmpf ogt, %broadcast_in_dim3A_283, %get3A_32 : vector<16xf32>
      %eq3A_307 = arith.cmpf oeq, %broadcast_in_dim3A_283, %get3A_32 : vector<16xf32>
      %lt3A_308 = arith.cmpf olt, %broadcast_in_dim3A_286, %get3A_37 : vector<16xf32>
      %and3A_309 = arith.andi %eq3A_307, %lt3A_308 : vector<16xi1>
      %or3A_310 = arith.ori %gt3A_306, %and3A_309 : vector<16xi1>
      %jit3A_311 = arith.constant 0.000000e+00 : f32
      %broadcast_in_dim3A_312 = vector.broadcast %jit3A_311 : f32 to vector<16xf32>
      %select_n3A_313 = arith.select %or3A_310, %div3A_305, %broadcast_in_dim3A_312 : vector<16xi1>, vector<16xf32>
      %max3A_314 = arith.maximumf %max3A_268, %select_n3A_313 : vector<16xf32>
      %slice3A_315 = vector.extract_strided_slice %get3A_68 {offsets = [5], sizes = [1], strides = [1]} : vector<16xf32> to vector<1xf32>
      %squeeze3A_316 = vector.extract %slice3A_315[0] : f32 from vector<1xf32>
      %broadcast_in_dim3A_317 = vector.broadcast %squeeze3A_316 : f32 to vector<16xf32>
      %slice3A_318 = vector.extract_strided_slice %get3A_73 {offsets = [5], sizes = [1], strides = [1]} : vector<16xf32> to vector<1xf32>
      %squeeze3A_319 = vector.extract %slice3A_318[0] : f32 from vector<1xf32>
      %broadcast_in_dim3A_320 = vector.broadcast %squeeze3A_319 : f32 to vector<16xf32>
      %slice3A_321 = vector.extract_strided_slice %get3A_78 {offsets = [5], sizes = [1], strides = [1]} : vector<16xf32> to vector<1xf32>
      %squeeze3A_322 = vector.extract %slice3A_321[0] : f32 from vector<1xf32>
      %broadcast_in_dim3A_323 = vector.broadcast %squeeze3A_322 : f32 to vector<16xf32>
      %slice3A_324 = vector.extract_strided_slice %get3A_83 {offsets = [5], sizes = [1], strides = [1]} : vector<16xf32> to vector<1xf32>
      %squeeze3A_325 = vector.extract %slice3A_324[0] : f32 from vector<1xf32>
      %broadcast_in_dim3A_326 = vector.broadcast %squeeze3A_325 : f32 to vector<16xf32>
      %slice3A_327 = vector.extract_strided_slice %get3A_88 {offsets = [5], sizes = [1], strides = [1]} : vector<16xf32> to vector<1xf32>
      %squeeze3A_328 = vector.extract %slice3A_327[0] : f32 from vector<1xf32>
      %broadcast_in_dim3A_329 = vector.broadcast %squeeze3A_328 : f32 to vector<16xf32>
      %slice3A_330 = vector.extract_strided_slice %get3A_93 {offsets = [5], sizes = [1], strides = [1]} : vector<16xf32> to vector<1xf32>
      %squeeze3A_331 = vector.extract %slice3A_330[0] : f32 from vector<1xf32>
      %broadcast_in_dim3A_332 = vector.broadcast %squeeze3A_331 : f32 to vector<16xf32>
      %slice3A_333 = vector.extract_strided_slice %mul3A_96 {offsets = [5], sizes = [1], strides = [1]} : vector<16xf32> to vector<1xf32>
      %squeeze3A_334 = vector.extract %slice3A_333[0] : f32 from vector<1xf32>
      %broadcast_in_dim3A_335 = vector.broadcast %squeeze3A_334 : f32 to vector<16xf32>
      %min3A_336 = arith.minimumf %broadcast_in_dim3A_323, %get3A_22 : vector<16xf32>
      %max3A_337 = arith.maximumf %broadcast_in_dim3A_317, %get3A_12 : vector<16xf32>
      %sub3A_338 = arith.subf %min3A_336, %max3A_337 : vector<16xf32>
      %max3A_339 = arith.constant 0.000000e+00 : f32
      %max3A_340 = vector.broadcast %max3A_339 : f32 to vector<16xf32>
      %max3A_341 = arith.maximumf %sub3A_338, %max3A_340 : vector<16xf32>
      %min3A_342 = arith.minimumf %broadcast_in_dim3A_326, %get3A_27 : vector<16xf32>
      %max3A_343 = arith.maximumf %broadcast_in_dim3A_320, %get3A_17 : vector<16xf32>
      %sub3A_344 = arith.subf %min3A_342, %max3A_343 : vector<16xf32>
      %max3A_345 = arith.constant 0.000000e+00 : f32
      %max3A_346 = vector.broadcast %max3A_345 : f32 to vector<16xf32>
      %max3A_347 = arith.maximumf %sub3A_344, %max3A_346 : vector<16xf32>
      %mul3A_348 = arith.mulf %max3A_341, %max3A_347 : vector<16xf32>
      %add3A_349 = arith.addf %broadcast_in_dim3A_335, %mul3A_39 : vector<16xf32>
      %sub3A_350 = arith.subf %add3A_349, %mul3A_348 : vector<16xf32>
      %div3A_351 = arith.divf %mul3A_348, %sub3A_350 : vector<16xf32>
      %gt3A_352 = arith.cmpf ogt, %broadcast_in_dim3A_329, %get3A_32 : vector<16xf32>
      %eq3A_353 = arith.cmpf oeq, %broadcast_in_dim3A_329, %get3A_32 : vector<16xf32>
      %lt3A_354 = arith.cmpf olt, %broadcast_in_dim3A_332, %get3A_37 : vector<16xf32>
      %and3A_355 = arith.andi %eq3A_353, %lt3A_354 : vector<16xi1>
      %or3A_356 = arith.ori %gt3A_352, %and3A_355 : vector<16xi1>
      %jit3A_357 = arith.constant 0.000000e+00 : f32
      %broadcast_in_dim3A_358 = vector.broadcast %jit3A_357 : f32 to vector<16xf32>
      %select_n3A_359 = arith.select %or3A_356, %div3A_351, %broadcast_in_dim3A_358 : vector<16xi1>, vector<16xf32>
      %max3A_360 = arith.maximumf %max3A_314, %select_n3A_359 : vector<16xf32>
      %slice3A_361 = vector.extract_strided_slice %get3A_68 {offsets = [6], sizes = [1], strides = [1]} : vector<16xf32> to vector<1xf32>
      %squeeze3A_362 = vector.extract %slice3A_361[0] : f32 from vector<1xf32>
      %broadcast_in_dim3A_363 = vector.broadcast %squeeze3A_362 : f32 to vector<16xf32>
      %slice3A_364 = vector.extract_strided_slice %get3A_73 {offsets = [6], sizes = [1], strides = [1]} : vector<16xf32> to vector<1xf32>
      %squeeze3A_365 = vector.extract %slice3A_364[0] : f32 from vector<1xf32>
      %broadcast_in_dim3A_366 = vector.broadcast %squeeze3A_365 : f32 to vector<16xf32>
      %slice3A_367 = vector.extract_strided_slice %get3A_78 {offsets = [6], sizes = [1], strides = [1]} : vector<16xf32> to vector<1xf32>
      %squeeze3A_368 = vector.extract %slice3A_367[0] : f32 from vector<1xf32>
      %broadcast_in_dim3A_369 = vector.broadcast %squeeze3A_368 : f32 to vector<16xf32>
      %slice3A_370 = vector.extract_strided_slice %get3A_83 {offsets = [6], sizes = [1], strides = [1]} : vector<16xf32> to vector<1xf32>
      %squeeze3A_371 = vector.extract %slice3A_370[0] : f32 from vector<1xf32>
      %broadcast_in_dim3A_372 = vector.broadcast %squeeze3A_371 : f32 to vector<16xf32>
      %slice3A_373 = vector.extract_strided_slice %get3A_88 {offsets = [6], sizes = [1], strides = [1]} : vector<16xf32> to vector<1xf32>
      %squeeze3A_374 = vector.extract %slice3A_373[0] : f32 from vector<1xf32>
      %broadcast_in_dim3A_375 = vector.broadcast %squeeze3A_374 : f32 to vector<16xf32>
      %slice3A_376 = vector.extract_strided_slice %get3A_93 {offsets = [6], sizes = [1], strides = [1]} : vector<16xf32> to vector<1xf32>
      %squeeze3A_377 = vector.extract %slice3A_376[0] : f32 from vector<1xf32>
      %broadcast_in_dim3A_378 = vector.broadcast %squeeze3A_377 : f32 to vector<16xf32>
      %slice3A_379 = vector.extract_strided_slice %mul3A_96 {offsets = [6], sizes = [1], strides = [1]} : vector<16xf32> to vector<1xf32>
      %squeeze3A_380 = vector.extract %slice3A_379[0] : f32 from vector<1xf32>
      %broadcast_in_dim3A_381 = vector.broadcast %squeeze3A_380 : f32 to vector<16xf32>
      %min3A_382 = arith.minimumf %broadcast_in_dim3A_369, %get3A_22 : vector<16xf32>
      %max3A_383 = arith.maximumf %broadcast_in_dim3A_363, %get3A_12 : vector<16xf32>
      %sub3A_384 = arith.subf %min3A_382, %max3A_383 : vector<16xf32>
      %max3A_385 = arith.constant 0.000000e+00 : f32
      %max3A_386 = vector.broadcast %max3A_385 : f32 to vector<16xf32>
      %max3A_387 = arith.maximumf %sub3A_384, %max3A_386 : vector<16xf32>
      %min3A_388 = arith.minimumf %broadcast_in_dim3A_372, %get3A_27 : vector<16xf32>
      %max3A_389 = arith.maximumf %broadcast_in_dim3A_366, %get3A_17 : vector<16xf32>
      %sub3A_390 = arith.subf %min3A_388, %max3A_389 : vector<16xf32>
      %max3A_391 = arith.constant 0.000000e+00 : f32
      %max3A_392 = vector.broadcast %max3A_391 : f32 to vector<16xf32>
      %max3A_393 = arith.maximumf %sub3A_390, %max3A_392 : vector<16xf32>
      %mul3A_394 = arith.mulf %max3A_387, %max3A_393 : vector<16xf32>
      %add3A_395 = arith.addf %broadcast_in_dim3A_381, %mul3A_39 : vector<16xf32>
      %sub3A_396 = arith.subf %add3A_395, %mul3A_394 : vector<16xf32>
      %div3A_397 = arith.divf %mul3A_394, %sub3A_396 : vector<16xf32>
      %gt3A_398 = arith.cmpf ogt, %broadcast_in_dim3A_375, %get3A_32 : vector<16xf32>
      %eq3A_399 = arith.cmpf oeq, %broadcast_in_dim3A_375, %get3A_32 : vector<16xf32>
      %lt3A_400 = arith.cmpf olt, %broadcast_in_dim3A_378, %get3A_37 : vector<16xf32>
      %and3A_401 = arith.andi %eq3A_399, %lt3A_400 : vector<16xi1>
      %or3A_402 = arith.ori %gt3A_398, %and3A_401 : vector<16xi1>
      %jit3A_403 = arith.constant 0.000000e+00 : f32
      %broadcast_in_dim3A_404 = vector.broadcast %jit3A_403 : f32 to vector<16xf32>
      %select_n3A_405 = arith.select %or3A_402, %div3A_397, %broadcast_in_dim3A_404 : vector<16xi1>, vector<16xf32>
      %max3A_406 = arith.maximumf %max3A_360, %select_n3A_405 : vector<16xf32>
      %slice3A_407 = vector.extract_strided_slice %get3A_68 {offsets = [7], sizes = [1], strides = [1]} : vector<16xf32> to vector<1xf32>
      %squeeze3A_408 = vector.extract %slice3A_407[0] : f32 from vector<1xf32>
      %broadcast_in_dim3A_409 = vector.broadcast %squeeze3A_408 : f32 to vector<16xf32>
      %slice3A_410 = vector.extract_strided_slice %get3A_73 {offsets = [7], sizes = [1], strides = [1]} : vector<16xf32> to vector<1xf32>
      %squeeze3A_411 = vector.extract %slice3A_410[0] : f32 from vector<1xf32>
      %broadcast_in_dim3A_412 = vector.broadcast %squeeze3A_411 : f32 to vector<16xf32>
      %slice3A_413 = vector.extract_strided_slice %get3A_78 {offsets = [7], sizes = [1], strides = [1]} : vector<16xf32> to vector<1xf32>
      %squeeze3A_414 = vector.extract %slice3A_413[0] : f32 from vector<1xf32>
      %broadcast_in_dim3A_415 = vector.broadcast %squeeze3A_414 : f32 to vector<16xf32>
      %slice3A_416 = vector.extract_strided_slice %get3A_83 {offsets = [7], sizes = [1], strides = [1]} : vector<16xf32> to vector<1xf32>
      %squeeze3A_417 = vector.extract %slice3A_416[0] : f32 from vector<1xf32>
      %broadcast_in_dim3A_418 = vector.broadcast %squeeze3A_417 : f32 to vector<16xf32>
      %slice3A_419 = vector.extract_strided_slice %get3A_88 {offsets = [7], sizes = [1], strides = [1]} : vector<16xf32> to vector<1xf32>
      %squeeze3A_420 = vector.extract %slice3A_419[0] : f32 from vector<1xf32>
      %broadcast_in_dim3A_421 = vector.broadcast %squeeze3A_420 : f32 to vector<16xf32>
      %slice3A_422 = vector.extract_strided_slice %get3A_93 {offsets = [7], sizes = [1], strides = [1]} : vector<16xf32> to vector<1xf32>
      %squeeze3A_423 = vector.extract %slice3A_422[0] : f32 from vector<1xf32>
      %broadcast_in_dim3A_424 = vector.broadcast %squeeze3A_423 : f32 to vector<16xf32>
      %slice3A_425 = vector.extract_strided_slice %mul3A_96 {offsets = [7], sizes = [1], strides = [1]} : vector<16xf32> to vector<1xf32>
      %squeeze3A_426 = vector.extract %slice3A_425[0] : f32 from vector<1xf32>
      %broadcast_in_dim3A_427 = vector.broadcast %squeeze3A_426 : f32 to vector<16xf32>
      %min3A_428 = arith.minimumf %broadcast_in_dim3A_415, %get3A_22 : vector<16xf32>
      %max3A_429 = arith.maximumf %broadcast_in_dim3A_409, %get3A_12 : vector<16xf32>
      %sub3A_430 = arith.subf %min3A_428, %max3A_429 : vector<16xf32>
      %max3A_431 = arith.constant 0.000000e+00 : f32
      %max3A_432 = vector.broadcast %max3A_431 : f32 to vector<16xf32>
      %max3A_433 = arith.maximumf %sub3A_430, %max3A_432 : vector<16xf32>
      %min3A_434 = arith.minimumf %broadcast_in_dim3A_418, %get3A_27 : vector<16xf32>
      %max3A_435 = arith.maximumf %broadcast_in_dim3A_412, %get3A_17 : vector<16xf32>
      %sub3A_436 = arith.subf %min3A_434, %max3A_435 : vector<16xf32>
      %max3A_437 = arith.constant 0.000000e+00 : f32
      %max3A_438 = vector.broadcast %max3A_437 : f32 to vector<16xf32>
      %max3A_439 = arith.maximumf %sub3A_436, %max3A_438 : vector<16xf32>
      %mul3A_440 = arith.mulf %max3A_433, %max3A_439 : vector<16xf32>
      %add3A_441 = arith.addf %broadcast_in_dim3A_427, %mul3A_39 : vector<16xf32>
      %sub3A_442 = arith.subf %add3A_441, %mul3A_440 : vector<16xf32>
      %div3A_443 = arith.divf %mul3A_440, %sub3A_442 : vector<16xf32>
      %gt3A_444 = arith.cmpf ogt, %broadcast_in_dim3A_421, %get3A_32 : vector<16xf32>
      %eq3A_445 = arith.cmpf oeq, %broadcast_in_dim3A_421, %get3A_32 : vector<16xf32>
      %lt3A_446 = arith.cmpf olt, %broadcast_in_dim3A_424, %get3A_37 : vector<16xf32>
      %and3A_447 = arith.andi %eq3A_445, %lt3A_446 : vector<16xi1>
      %or3A_448 = arith.ori %gt3A_444, %and3A_447 : vector<16xi1>
      %jit3A_449 = arith.constant 0.000000e+00 : f32
      %broadcast_in_dim3A_450 = vector.broadcast %jit3A_449 : f32 to vector<16xf32>
      %select_n3A_451 = arith.select %or3A_448, %div3A_443, %broadcast_in_dim3A_450 : vector<16xi1>, vector<16xf32>
      %max3A_452 = arith.maximumf %max3A_406, %select_n3A_451 : vector<16xf32>
      %slice3A_453 = vector.extract_strided_slice %get3A_68 {offsets = [8], sizes = [1], strides = [1]} : vector<16xf32> to vector<1xf32>
      %squeeze3A_454 = vector.extract %slice3A_453[0] : f32 from vector<1xf32>
      %broadcast_in_dim3A_455 = vector.broadcast %squeeze3A_454 : f32 to vector<16xf32>
      %slice3A_456 = vector.extract_strided_slice %get3A_73 {offsets = [8], sizes = [1], strides = [1]} : vector<16xf32> to vector<1xf32>
      %squeeze3A_457 = vector.extract %slice3A_456[0] : f32 from vector<1xf32>
      %broadcast_in_dim3A_458 = vector.broadcast %squeeze3A_457 : f32 to vector<16xf32>
      %slice3A_459 = vector.extract_strided_slice %get3A_78 {offsets = [8], sizes = [1], strides = [1]} : vector<16xf32> to vector<1xf32>
      %squeeze3A_460 = vector.extract %slice3A_459[0] : f32 from vector<1xf32>
      %broadcast_in_dim3A_461 = vector.broadcast %squeeze3A_460 : f32 to vector<16xf32>
      %slice3A_462 = vector.extract_strided_slice %get3A_83 {offsets = [8], sizes = [1], strides = [1]} : vector<16xf32> to vector<1xf32>
      %squeeze3A_463 = vector.extract %slice3A_462[0] : f32 from vector<1xf32>
      %broadcast_in_dim3A_464 = vector.broadcast %squeeze3A_463 : f32 to vector<16xf32>
      %slice3A_465 = vector.extract_strided_slice %get3A_88 {offsets = [8], sizes = [1], strides = [1]} : vector<16xf32> to vector<1xf32>
      %squeeze3A_466 = vector.extract %slice3A_465[0] : f32 from vector<1xf32>
      %broadcast_in_dim3A_467 = vector.broadcast %squeeze3A_466 : f32 to vector<16xf32>
      %slice3A_468 = vector.extract_strided_slice %get3A_93 {offsets = [8], sizes = [1], strides = [1]} : vector<16xf32> to vector<1xf32>
      %squeeze3A_469 = vector.extract %slice3A_468[0] : f32 from vector<1xf32>
      %broadcast_in_dim3A_470 = vector.broadcast %squeeze3A_469 : f32 to vector<16xf32>
      %slice3A_471 = vector.extract_strided_slice %mul3A_96 {offsets = [8], sizes = [1], strides = [1]} : vector<16xf32> to vector<1xf32>
      %squeeze3A_472 = vector.extract %slice3A_471[0] : f32 from vector<1xf32>
      %broadcast_in_dim3A_473 = vector.broadcast %squeeze3A_472 : f32 to vector<16xf32>
      %min3A_474 = arith.minimumf %broadcast_in_dim3A_461, %get3A_22 : vector<16xf32>
      %max3A_475 = arith.maximumf %broadcast_in_dim3A_455, %get3A_12 : vector<16xf32>
      %sub3A_476 = arith.subf %min3A_474, %max3A_475 : vector<16xf32>
      %max3A_477 = arith.constant 0.000000e+00 : f32
      %max3A_478 = vector.broadcast %max3A_477 : f32 to vector<16xf32>
      %max3A_479 = arith.maximumf %sub3A_476, %max3A_478 : vector<16xf32>
      %min3A_480 = arith.minimumf %broadcast_in_dim3A_464, %get3A_27 : vector<16xf32>
      %max3A_481 = arith.maximumf %broadcast_in_dim3A_458, %get3A_17 : vector<16xf32>
      %sub3A_482 = arith.subf %min3A_480, %max3A_481 : vector<16xf32>
      %max3A_483 = arith.constant 0.000000e+00 : f32
      %max3A_484 = vector.broadcast %max3A_483 : f32 to vector<16xf32>
      %max3A_485 = arith.maximumf %sub3A_482, %max3A_484 : vector<16xf32>
      %mul3A_486 = arith.mulf %max3A_479, %max3A_485 : vector<16xf32>
      %add3A_487 = arith.addf %broadcast_in_dim3A_473, %mul3A_39 : vector<16xf32>
      %sub3A_488 = arith.subf %add3A_487, %mul3A_486 : vector<16xf32>
      %div3A_489 = arith.divf %mul3A_486, %sub3A_488 : vector<16xf32>
      %gt3A_490 = arith.cmpf ogt, %broadcast_in_dim3A_467, %get3A_32 : vector<16xf32>
      %eq3A_491 = arith.cmpf oeq, %broadcast_in_dim3A_467, %get3A_32 : vector<16xf32>
      %lt3A_492 = arith.cmpf olt, %broadcast_in_dim3A_470, %get3A_37 : vector<16xf32>
      %and3A_493 = arith.andi %eq3A_491, %lt3A_492 : vector<16xi1>
      %or3A_494 = arith.ori %gt3A_490, %and3A_493 : vector<16xi1>
      %jit3A_495 = arith.constant 0.000000e+00 : f32
      %broadcast_in_dim3A_496 = vector.broadcast %jit3A_495 : f32 to vector<16xf32>
      %select_n3A_497 = arith.select %or3A_494, %div3A_489, %broadcast_in_dim3A_496 : vector<16xi1>, vector<16xf32>
      %max3A_498 = arith.maximumf %max3A_452, %select_n3A_497 : vector<16xf32>
      %slice3A_499 = vector.extract_strided_slice %get3A_68 {offsets = [9], sizes = [1], strides = [1]} : vector<16xf32> to vector<1xf32>
      %squeeze3A_500 = vector.extract %slice3A_499[0] : f32 from vector<1xf32>
      %broadcast_in_dim3A_501 = vector.broadcast %squeeze3A_500 : f32 to vector<16xf32>
      %slice3A_502 = vector.extract_strided_slice %get3A_73 {offsets = [9], sizes = [1], strides = [1]} : vector<16xf32> to vector<1xf32>
      %squeeze3A_503 = vector.extract %slice3A_502[0] : f32 from vector<1xf32>
      %broadcast_in_dim3A_504 = vector.broadcast %squeeze3A_503 : f32 to vector<16xf32>
      %slice3A_505 = vector.extract_strided_slice %get3A_78 {offsets = [9], sizes = [1], strides = [1]} : vector<16xf32> to vector<1xf32>
      %squeeze3A_506 = vector.extract %slice3A_505[0] : f32 from vector<1xf32>
      %broadcast_in_dim3A_507 = vector.broadcast %squeeze3A_506 : f32 to vector<16xf32>
      %slice3A_508 = vector.extract_strided_slice %get3A_83 {offsets = [9], sizes = [1], strides = [1]} : vector<16xf32> to vector<1xf32>
      %squeeze3A_509 = vector.extract %slice3A_508[0] : f32 from vector<1xf32>
      %broadcast_in_dim3A_510 = vector.broadcast %squeeze3A_509 : f32 to vector<16xf32>
      %slice3A_511 = vector.extract_strided_slice %get3A_88 {offsets = [9], sizes = [1], strides = [1]} : vector<16xf32> to vector<1xf32>
      %squeeze3A_512 = vector.extract %slice3A_511[0] : f32 from vector<1xf32>
      %broadcast_in_dim3A_513 = vector.broadcast %squeeze3A_512 : f32 to vector<16xf32>
      %slice3A_514 = vector.extract_strided_slice %get3A_93 {offsets = [9], sizes = [1], strides = [1]} : vector<16xf32> to vector<1xf32>
      %squeeze3A_515 = vector.extract %slice3A_514[0] : f32 from vector<1xf32>
      %broadcast_in_dim3A_516 = vector.broadcast %squeeze3A_515 : f32 to vector<16xf32>
      %slice3A_517 = vector.extract_strided_slice %mul3A_96 {offsets = [9], sizes = [1], strides = [1]} : vector<16xf32> to vector<1xf32>
      %squeeze3A_518 = vector.extract %slice3A_517[0] : f32 from vector<1xf32>
      %broadcast_in_dim3A_519 = vector.broadcast %squeeze3A_518 : f32 to vector<16xf32>
      %min3A_520 = arith.minimumf %broadcast_in_dim3A_507, %get3A_22 : vector<16xf32>
      %max3A_521 = arith.maximumf %broadcast_in_dim3A_501, %get3A_12 : vector<16xf32>
      %sub3A_522 = arith.subf %min3A_520, %max3A_521 : vector<16xf32>
      %max3A_523 = arith.constant 0.000000e+00 : f32
      %max3A_524 = vector.broadcast %max3A_523 : f32 to vector<16xf32>
      %max3A_525 = arith.maximumf %sub3A_522, %max3A_524 : vector<16xf32>
      %min3A_526 = arith.minimumf %broadcast_in_dim3A_510, %get3A_27 : vector<16xf32>
      %max3A_527 = arith.maximumf %broadcast_in_dim3A_504, %get3A_17 : vector<16xf32>
      %sub3A_528 = arith.subf %min3A_526, %max3A_527 : vector<16xf32>
      %max3A_529 = arith.constant 0.000000e+00 : f32
      %max3A_530 = vector.broadcast %max3A_529 : f32 to vector<16xf32>
      %max3A_531 = arith.maximumf %sub3A_528, %max3A_530 : vector<16xf32>
      %mul3A_532 = arith.mulf %max3A_525, %max3A_531 : vector<16xf32>
      %add3A_533 = arith.addf %broadcast_in_dim3A_519, %mul3A_39 : vector<16xf32>
      %sub3A_534 = arith.subf %add3A_533, %mul3A_532 : vector<16xf32>
      %div3A_535 = arith.divf %mul3A_532, %sub3A_534 : vector<16xf32>
      %gt3A_536 = arith.cmpf ogt, %broadcast_in_dim3A_513, %get3A_32 : vector<16xf32>
      %eq3A_537 = arith.cmpf oeq, %broadcast_in_dim3A_513, %get3A_32 : vector<16xf32>
      %lt3A_538 = arith.cmpf olt, %broadcast_in_dim3A_516, %get3A_37 : vector<16xf32>
      %and3A_539 = arith.andi %eq3A_537, %lt3A_538 : vector<16xi1>
      %or3A_540 = arith.ori %gt3A_536, %and3A_539 : vector<16xi1>
      %jit3A_541 = arith.constant 0.000000e+00 : f32
      %broadcast_in_dim3A_542 = vector.broadcast %jit3A_541 : f32 to vector<16xf32>
      %select_n3A_543 = arith.select %or3A_540, %div3A_535, %broadcast_in_dim3A_542 : vector<16xi1>, vector<16xf32>
      %max3A_544 = arith.maximumf %max3A_498, %select_n3A_543 : vector<16xf32>
      %slice3A_545 = vector.extract_strided_slice %get3A_68 {offsets = [10], sizes = [1], strides = [1]} : vector<16xf32> to vector<1xf32>
      %squeeze3A_546 = vector.extract %slice3A_545[0] : f32 from vector<1xf32>
      %broadcast_in_dim3A_547 = vector.broadcast %squeeze3A_546 : f32 to vector<16xf32>
      %slice3A_548 = vector.extract_strided_slice %get3A_73 {offsets = [10], sizes = [1], strides = [1]} : vector<16xf32> to vector<1xf32>
      %squeeze3A_549 = vector.extract %slice3A_548[0] : f32 from vector<1xf32>
      %broadcast_in_dim3A_550 = vector.broadcast %squeeze3A_549 : f32 to vector<16xf32>
      %slice3A_551 = vector.extract_strided_slice %get3A_78 {offsets = [10], sizes = [1], strides = [1]} : vector<16xf32> to vector<1xf32>
      %squeeze3A_552 = vector.extract %slice3A_551[0] : f32 from vector<1xf32>
      %broadcast_in_dim3A_553 = vector.broadcast %squeeze3A_552 : f32 to vector<16xf32>
      %slice3A_554 = vector.extract_strided_slice %get3A_83 {offsets = [10], sizes = [1], strides = [1]} : vector<16xf32> to vector<1xf32>
      %squeeze3A_555 = vector.extract %slice3A_554[0] : f32 from vector<1xf32>
      %broadcast_in_dim3A_556 = vector.broadcast %squeeze3A_555 : f32 to vector<16xf32>
      %slice3A_557 = vector.extract_strided_slice %get3A_88 {offsets = [10], sizes = [1], strides = [1]} : vector<16xf32> to vector<1xf32>
      %squeeze3A_558 = vector.extract %slice3A_557[0] : f32 from vector<1xf32>
      %broadcast_in_dim3A_559 = vector.broadcast %squeeze3A_558 : f32 to vector<16xf32>
      %slice3A_560 = vector.extract_strided_slice %get3A_93 {offsets = [10], sizes = [1], strides = [1]} : vector<16xf32> to vector<1xf32>
      %squeeze3A_561 = vector.extract %slice3A_560[0] : f32 from vector<1xf32>
      %broadcast_in_dim3A_562 = vector.broadcast %squeeze3A_561 : f32 to vector<16xf32>
      %slice3A_563 = vector.extract_strided_slice %mul3A_96 {offsets = [10], sizes = [1], strides = [1]} : vector<16xf32> to vector<1xf32>
      %squeeze3A_564 = vector.extract %slice3A_563[0] : f32 from vector<1xf32>
      %broadcast_in_dim3A_565 = vector.broadcast %squeeze3A_564 : f32 to vector<16xf32>
      %min3A_566 = arith.minimumf %broadcast_in_dim3A_553, %get3A_22 : vector<16xf32>
      %max3A_567 = arith.maximumf %broadcast_in_dim3A_547, %get3A_12 : vector<16xf32>
      %sub3A_568 = arith.subf %min3A_566, %max3A_567 : vector<16xf32>
      %max3A_569 = arith.constant 0.000000e+00 : f32
      %max3A_570 = vector.broadcast %max3A_569 : f32 to vector<16xf32>
      %max3A_571 = arith.maximumf %sub3A_568, %max3A_570 : vector<16xf32>
      %min3A_572 = arith.minimumf %broadcast_in_dim3A_556, %get3A_27 : vector<16xf32>
      %max3A_573 = arith.maximumf %broadcast_in_dim3A_550, %get3A_17 : vector<16xf32>
      %sub3A_574 = arith.subf %min3A_572, %max3A_573 : vector<16xf32>
      %max3A_575 = arith.constant 0.000000e+00 : f32
      %max3A_576 = vector.broadcast %max3A_575 : f32 to vector<16xf32>
      %max3A_577 = arith.maximumf %sub3A_574, %max3A_576 : vector<16xf32>
      %mul3A_578 = arith.mulf %max3A_571, %max3A_577 : vector<16xf32>
      %add3A_579 = arith.addf %broadcast_in_dim3A_565, %mul3A_39 : vector<16xf32>
      %sub3A_580 = arith.subf %add3A_579, %mul3A_578 : vector<16xf32>
      %div3A_581 = arith.divf %mul3A_578, %sub3A_580 : vector<16xf32>
      %gt3A_582 = arith.cmpf ogt, %broadcast_in_dim3A_559, %get3A_32 : vector<16xf32>
      %eq3A_583 = arith.cmpf oeq, %broadcast_in_dim3A_559, %get3A_32 : vector<16xf32>
      %lt3A_584 = arith.cmpf olt, %broadcast_in_dim3A_562, %get3A_37 : vector<16xf32>
      %and3A_585 = arith.andi %eq3A_583, %lt3A_584 : vector<16xi1>
      %or3A_586 = arith.ori %gt3A_582, %and3A_585 : vector<16xi1>
      %jit3A_587 = arith.constant 0.000000e+00 : f32
      %broadcast_in_dim3A_588 = vector.broadcast %jit3A_587 : f32 to vector<16xf32>
      %select_n3A_589 = arith.select %or3A_586, %div3A_581, %broadcast_in_dim3A_588 : vector<16xi1>, vector<16xf32>
      %max3A_590 = arith.maximumf %max3A_544, %select_n3A_589 : vector<16xf32>
      %slice3A_591 = vector.extract_strided_slice %get3A_68 {offsets = [11], sizes = [1], strides = [1]} : vector<16xf32> to vector<1xf32>
      %squeeze3A_592 = vector.extract %slice3A_591[0] : f32 from vector<1xf32>
      %broadcast_in_dim3A_593 = vector.broadcast %squeeze3A_592 : f32 to vector<16xf32>
      %slice3A_594 = vector.extract_strided_slice %get3A_73 {offsets = [11], sizes = [1], strides = [1]} : vector<16xf32> to vector<1xf32>
      %squeeze3A_595 = vector.extract %slice3A_594[0] : f32 from vector<1xf32>
      %broadcast_in_dim3A_596 = vector.broadcast %squeeze3A_595 : f32 to vector<16xf32>
      %slice3A_597 = vector.extract_strided_slice %get3A_78 {offsets = [11], sizes = [1], strides = [1]} : vector<16xf32> to vector<1xf32>
      %squeeze3A_598 = vector.extract %slice3A_597[0] : f32 from vector<1xf32>
      %broadcast_in_dim3A_599 = vector.broadcast %squeeze3A_598 : f32 to vector<16xf32>
      %slice3A_600 = vector.extract_strided_slice %get3A_83 {offsets = [11], sizes = [1], strides = [1]} : vector<16xf32> to vector<1xf32>
      %squeeze3A_601 = vector.extract %slice3A_600[0] : f32 from vector<1xf32>
      %broadcast_in_dim3A_602 = vector.broadcast %squeeze3A_601 : f32 to vector<16xf32>
      %slice3A_603 = vector.extract_strided_slice %get3A_88 {offsets = [11], sizes = [1], strides = [1]} : vector<16xf32> to vector<1xf32>
      %squeeze3A_604 = vector.extract %slice3A_603[0] : f32 from vector<1xf32>
      %broadcast_in_dim3A_605 = vector.broadcast %squeeze3A_604 : f32 to vector<16xf32>
      %slice3A_606 = vector.extract_strided_slice %get3A_93 {offsets = [11], sizes = [1], strides = [1]} : vector<16xf32> to vector<1xf32>
      %squeeze3A_607 = vector.extract %slice3A_606[0] : f32 from vector<1xf32>
      %broadcast_in_dim3A_608 = vector.broadcast %squeeze3A_607 : f32 to vector<16xf32>
      %slice3A_609 = vector.extract_strided_slice %mul3A_96 {offsets = [11], sizes = [1], strides = [1]} : vector<16xf32> to vector<1xf32>
      %squeeze3A_610 = vector.extract %slice3A_609[0] : f32 from vector<1xf32>
      %broadcast_in_dim3A_611 = vector.broadcast %squeeze3A_610 : f32 to vector<16xf32>
      %min3A_612 = arith.minimumf %broadcast_in_dim3A_599, %get3A_22 : vector<16xf32>
      %max3A_613 = arith.maximumf %broadcast_in_dim3A_593, %get3A_12 : vector<16xf32>
      %sub3A_614 = arith.subf %min3A_612, %max3A_613 : vector<16xf32>
      %max3A_615 = arith.constant 0.000000e+00 : f32
      %max3A_616 = vector.broadcast %max3A_615 : f32 to vector<16xf32>
      %max3A_617 = arith.maximumf %sub3A_614, %max3A_616 : vector<16xf32>
      %min3A_618 = arith.minimumf %broadcast_in_dim3A_602, %get3A_27 : vector<16xf32>
      %max3A_619 = arith.maximumf %broadcast_in_dim3A_596, %get3A_17 : vector<16xf32>
      %sub3A_620 = arith.subf %min3A_618, %max3A_619 : vector<16xf32>
      %max3A_621 = arith.constant 0.000000e+00 : f32
      %max3A_622 = vector.broadcast %max3A_621 : f32 to vector<16xf32>
      %max3A_623 = arith.maximumf %sub3A_620, %max3A_622 : vector<16xf32>
      %mul3A_624 = arith.mulf %max3A_617, %max3A_623 : vector<16xf32>
      %add3A_625 = arith.addf %broadcast_in_dim3A_611, %mul3A_39 : vector<16xf32>
      %sub3A_626 = arith.subf %add3A_625, %mul3A_624 : vector<16xf32>
      %div3A_627 = arith.divf %mul3A_624, %sub3A_626 : vector<16xf32>
      %gt3A_628 = arith.cmpf ogt, %broadcast_in_dim3A_605, %get3A_32 : vector<16xf32>
      %eq3A_629 = arith.cmpf oeq, %broadcast_in_dim3A_605, %get3A_32 : vector<16xf32>
      %lt3A_630 = arith.cmpf olt, %broadcast_in_dim3A_608, %get3A_37 : vector<16xf32>
      %and3A_631 = arith.andi %eq3A_629, %lt3A_630 : vector<16xi1>
      %or3A_632 = arith.ori %gt3A_628, %and3A_631 : vector<16xi1>
      %jit3A_633 = arith.constant 0.000000e+00 : f32
      %broadcast_in_dim3A_634 = vector.broadcast %jit3A_633 : f32 to vector<16xf32>
      %select_n3A_635 = arith.select %or3A_632, %div3A_627, %broadcast_in_dim3A_634 : vector<16xi1>, vector<16xf32>
      %max3A_636 = arith.maximumf %max3A_590, %select_n3A_635 : vector<16xf32>
      %slice3A_637 = vector.extract_strided_slice %get3A_68 {offsets = [12], sizes = [1], strides = [1]} : vector<16xf32> to vector<1xf32>
      %squeeze3A_638 = vector.extract %slice3A_637[0] : f32 from vector<1xf32>
      %broadcast_in_dim3A_639 = vector.broadcast %squeeze3A_638 : f32 to vector<16xf32>
      %slice3A_640 = vector.extract_strided_slice %get3A_73 {offsets = [12], sizes = [1], strides = [1]} : vector<16xf32> to vector<1xf32>
      %squeeze3A_641 = vector.extract %slice3A_640[0] : f32 from vector<1xf32>
      %broadcast_in_dim3A_642 = vector.broadcast %squeeze3A_641 : f32 to vector<16xf32>
      %slice3A_643 = vector.extract_strided_slice %get3A_78 {offsets = [12], sizes = [1], strides = [1]} : vector<16xf32> to vector<1xf32>
      %squeeze3A_644 = vector.extract %slice3A_643[0] : f32 from vector<1xf32>
      %broadcast_in_dim3A_645 = vector.broadcast %squeeze3A_644 : f32 to vector<16xf32>
      %slice3A_646 = vector.extract_strided_slice %get3A_83 {offsets = [12], sizes = [1], strides = [1]} : vector<16xf32> to vector<1xf32>
      %squeeze3A_647 = vector.extract %slice3A_646[0] : f32 from vector<1xf32>
      %broadcast_in_dim3A_648 = vector.broadcast %squeeze3A_647 : f32 to vector<16xf32>
      %slice3A_649 = vector.extract_strided_slice %get3A_88 {offsets = [12], sizes = [1], strides = [1]} : vector<16xf32> to vector<1xf32>
      %squeeze3A_650 = vector.extract %slice3A_649[0] : f32 from vector<1xf32>
      %broadcast_in_dim3A_651 = vector.broadcast %squeeze3A_650 : f32 to vector<16xf32>
      %slice3A_652 = vector.extract_strided_slice %get3A_93 {offsets = [12], sizes = [1], strides = [1]} : vector<16xf32> to vector<1xf32>
      %squeeze3A_653 = vector.extract %slice3A_652[0] : f32 from vector<1xf32>
      %broadcast_in_dim3A_654 = vector.broadcast %squeeze3A_653 : f32 to vector<16xf32>
      %slice3A_655 = vector.extract_strided_slice %mul3A_96 {offsets = [12], sizes = [1], strides = [1]} : vector<16xf32> to vector<1xf32>
      %squeeze3A_656 = vector.extract %slice3A_655[0] : f32 from vector<1xf32>
      %broadcast_in_dim3A_657 = vector.broadcast %squeeze3A_656 : f32 to vector<16xf32>
      %min3A_658 = arith.minimumf %broadcast_in_dim3A_645, %get3A_22 : vector<16xf32>
      %max3A_659 = arith.maximumf %broadcast_in_dim3A_639, %get3A_12 : vector<16xf32>
      %sub3A_660 = arith.subf %min3A_658, %max3A_659 : vector<16xf32>
      %max3A_661 = arith.constant 0.000000e+00 : f32
      %max3A_662 = vector.broadcast %max3A_661 : f32 to vector<16xf32>
      %max3A_663 = arith.maximumf %sub3A_660, %max3A_662 : vector<16xf32>
      %min3A_664 = arith.minimumf %broadcast_in_dim3A_648, %get3A_27 : vector<16xf32>
      %max3A_665 = arith.maximumf %broadcast_in_dim3A_642, %get3A_17 : vector<16xf32>
      %sub3A_666 = arith.subf %min3A_664, %max3A_665 : vector<16xf32>
      %max3A_667 = arith.constant 0.000000e+00 : f32
      %max3A_668 = vector.broadcast %max3A_667 : f32 to vector<16xf32>
      %max3A_669 = arith.maximumf %sub3A_666, %max3A_668 : vector<16xf32>
      %mul3A_670 = arith.mulf %max3A_663, %max3A_669 : vector<16xf32>
      %add3A_671 = arith.addf %broadcast_in_dim3A_657, %mul3A_39 : vector<16xf32>
      %sub3A_672 = arith.subf %add3A_671, %mul3A_670 : vector<16xf32>
      %div3A_673 = arith.divf %mul3A_670, %sub3A_672 : vector<16xf32>
      %gt3A_674 = arith.cmpf ogt, %broadcast_in_dim3A_651, %get3A_32 : vector<16xf32>
      %eq3A_675 = arith.cmpf oeq, %broadcast_in_dim3A_651, %get3A_32 : vector<16xf32>
      %lt3A_676 = arith.cmpf olt, %broadcast_in_dim3A_654, %get3A_37 : vector<16xf32>
      %and3A_677 = arith.andi %eq3A_675, %lt3A_676 : vector<16xi1>
      %or3A_678 = arith.ori %gt3A_674, %and3A_677 : vector<16xi1>
      %jit3A_679 = arith.constant 0.000000e+00 : f32
      %broadcast_in_dim3A_680 = vector.broadcast %jit3A_679 : f32 to vector<16xf32>
      %select_n3A_681 = arith.select %or3A_678, %div3A_673, %broadcast_in_dim3A_680 : vector<16xi1>, vector<16xf32>
      %max3A_682 = arith.maximumf %max3A_636, %select_n3A_681 : vector<16xf32>
      %slice3A_683 = vector.extract_strided_slice %get3A_68 {offsets = [13], sizes = [1], strides = [1]} : vector<16xf32> to vector<1xf32>
      %squeeze3A_684 = vector.extract %slice3A_683[0] : f32 from vector<1xf32>
      %broadcast_in_dim3A_685 = vector.broadcast %squeeze3A_684 : f32 to vector<16xf32>
      %slice3A_686 = vector.extract_strided_slice %get3A_73 {offsets = [13], sizes = [1], strides = [1]} : vector<16xf32> to vector<1xf32>
      %squeeze3A_687 = vector.extract %slice3A_686[0] : f32 from vector<1xf32>
      %broadcast_in_dim3A_688 = vector.broadcast %squeeze3A_687 : f32 to vector<16xf32>
      %slice3A_689 = vector.extract_strided_slice %get3A_78 {offsets = [13], sizes = [1], strides = [1]} : vector<16xf32> to vector<1xf32>
      %squeeze3A_690 = vector.extract %slice3A_689[0] : f32 from vector<1xf32>
      %broadcast_in_dim3A_691 = vector.broadcast %squeeze3A_690 : f32 to vector<16xf32>
      %slice3A_692 = vector.extract_strided_slice %get3A_83 {offsets = [13], sizes = [1], strides = [1]} : vector<16xf32> to vector<1xf32>
      %squeeze3A_693 = vector.extract %slice3A_692[0] : f32 from vector<1xf32>
      %broadcast_in_dim3A_694 = vector.broadcast %squeeze3A_693 : f32 to vector<16xf32>
      %slice3A_695 = vector.extract_strided_slice %get3A_88 {offsets = [13], sizes = [1], strides = [1]} : vector<16xf32> to vector<1xf32>
      %squeeze3A_696 = vector.extract %slice3A_695[0] : f32 from vector<1xf32>
      %broadcast_in_dim3A_697 = vector.broadcast %squeeze3A_696 : f32 to vector<16xf32>
      %slice3A_698 = vector.extract_strided_slice %get3A_93 {offsets = [13], sizes = [1], strides = [1]} : vector<16xf32> to vector<1xf32>
      %squeeze3A_699 = vector.extract %slice3A_698[0] : f32 from vector<1xf32>
      %broadcast_in_dim3A_700 = vector.broadcast %squeeze3A_699 : f32 to vector<16xf32>
      %slice3A_701 = vector.extract_strided_slice %mul3A_96 {offsets = [13], sizes = [1], strides = [1]} : vector<16xf32> to vector<1xf32>
      %squeeze3A_702 = vector.extract %slice3A_701[0] : f32 from vector<1xf32>
      %broadcast_in_dim3A_703 = vector.broadcast %squeeze3A_702 : f32 to vector<16xf32>
      %min3A_704 = arith.minimumf %broadcast_in_dim3A_691, %get3A_22 : vector<16xf32>
      %max3A_705 = arith.maximumf %broadcast_in_dim3A_685, %get3A_12 : vector<16xf32>
      %sub3A_706 = arith.subf %min3A_704, %max3A_705 : vector<16xf32>
      %max3A_707 = arith.constant 0.000000e+00 : f32
      %max3A_708 = vector.broadcast %max3A_707 : f32 to vector<16xf32>
      %max3A_709 = arith.maximumf %sub3A_706, %max3A_708 : vector<16xf32>
      %min3A_710 = arith.minimumf %broadcast_in_dim3A_694, %get3A_27 : vector<16xf32>
      %max3A_711 = arith.maximumf %broadcast_in_dim3A_688, %get3A_17 : vector<16xf32>
      %sub3A_712 = arith.subf %min3A_710, %max3A_711 : vector<16xf32>
      %max3A_713 = arith.constant 0.000000e+00 : f32
      %max3A_714 = vector.broadcast %max3A_713 : f32 to vector<16xf32>
      %max3A_715 = arith.maximumf %sub3A_712, %max3A_714 : vector<16xf32>
      %mul3A_716 = arith.mulf %max3A_709, %max3A_715 : vector<16xf32>
      %add3A_717 = arith.addf %broadcast_in_dim3A_703, %mul3A_39 : vector<16xf32>
      %sub3A_718 = arith.subf %add3A_717, %mul3A_716 : vector<16xf32>
      %div3A_719 = arith.divf %mul3A_716, %sub3A_718 : vector<16xf32>
      %gt3A_720 = arith.cmpf ogt, %broadcast_in_dim3A_697, %get3A_32 : vector<16xf32>
      %eq3A_721 = arith.cmpf oeq, %broadcast_in_dim3A_697, %get3A_32 : vector<16xf32>
      %lt3A_722 = arith.cmpf olt, %broadcast_in_dim3A_700, %get3A_37 : vector<16xf32>
      %and3A_723 = arith.andi %eq3A_721, %lt3A_722 : vector<16xi1>
      %or3A_724 = arith.ori %gt3A_720, %and3A_723 : vector<16xi1>
      %jit3A_725 = arith.constant 0.000000e+00 : f32
      %broadcast_in_dim3A_726 = vector.broadcast %jit3A_725 : f32 to vector<16xf32>
      %select_n3A_727 = arith.select %or3A_724, %div3A_719, %broadcast_in_dim3A_726 : vector<16xi1>, vector<16xf32>
      %max3A_728 = arith.maximumf %max3A_682, %select_n3A_727 : vector<16xf32>
      %slice3A_729 = vector.extract_strided_slice %get3A_68 {offsets = [14], sizes = [1], strides = [1]} : vector<16xf32> to vector<1xf32>
      %squeeze3A_730 = vector.extract %slice3A_729[0] : f32 from vector<1xf32>
      %broadcast_in_dim3A_731 = vector.broadcast %squeeze3A_730 : f32 to vector<16xf32>
      %slice3A_732 = vector.extract_strided_slice %get3A_73 {offsets = [14], sizes = [1], strides = [1]} : vector<16xf32> to vector<1xf32>
      %squeeze3A_733 = vector.extract %slice3A_732[0] : f32 from vector<1xf32>
      %broadcast_in_dim3A_734 = vector.broadcast %squeeze3A_733 : f32 to vector<16xf32>
      %slice3A_735 = vector.extract_strided_slice %get3A_78 {offsets = [14], sizes = [1], strides = [1]} : vector<16xf32> to vector<1xf32>
      %squeeze3A_736 = vector.extract %slice3A_735[0] : f32 from vector<1xf32>
      %broadcast_in_dim3A_737 = vector.broadcast %squeeze3A_736 : f32 to vector<16xf32>
      %slice3A_738 = vector.extract_strided_slice %get3A_83 {offsets = [14], sizes = [1], strides = [1]} : vector<16xf32> to vector<1xf32>
      %squeeze3A_739 = vector.extract %slice3A_738[0] : f32 from vector<1xf32>
      %broadcast_in_dim3A_740 = vector.broadcast %squeeze3A_739 : f32 to vector<16xf32>
      %slice3A_741 = vector.extract_strided_slice %get3A_88 {offsets = [14], sizes = [1], strides = [1]} : vector<16xf32> to vector<1xf32>
      %squeeze3A_742 = vector.extract %slice3A_741[0] : f32 from vector<1xf32>
      %broadcast_in_dim3A_743 = vector.broadcast %squeeze3A_742 : f32 to vector<16xf32>
      %slice3A_744 = vector.extract_strided_slice %get3A_93 {offsets = [14], sizes = [1], strides = [1]} : vector<16xf32> to vector<1xf32>
      %squeeze3A_745 = vector.extract %slice3A_744[0] : f32 from vector<1xf32>
      %broadcast_in_dim3A_746 = vector.broadcast %squeeze3A_745 : f32 to vector<16xf32>
      %slice3A_747 = vector.extract_strided_slice %mul3A_96 {offsets = [14], sizes = [1], strides = [1]} : vector<16xf32> to vector<1xf32>
      %squeeze3A_748 = vector.extract %slice3A_747[0] : f32 from vector<1xf32>
      %broadcast_in_dim3A_749 = vector.broadcast %squeeze3A_748 : f32 to vector<16xf32>
      %min3A_750 = arith.minimumf %broadcast_in_dim3A_737, %get3A_22 : vector<16xf32>
      %max3A_751 = arith.maximumf %broadcast_in_dim3A_731, %get3A_12 : vector<16xf32>
      %sub3A_752 = arith.subf %min3A_750, %max3A_751 : vector<16xf32>
      %max3A_753 = arith.constant 0.000000e+00 : f32
      %max3A_754 = vector.broadcast %max3A_753 : f32 to vector<16xf32>
      %max3A_755 = arith.maximumf %sub3A_752, %max3A_754 : vector<16xf32>
      %min3A_756 = arith.minimumf %broadcast_in_dim3A_740, %get3A_27 : vector<16xf32>
      %max3A_757 = arith.maximumf %broadcast_in_dim3A_734, %get3A_17 : vector<16xf32>
      %sub3A_758 = arith.subf %min3A_756, %max3A_757 : vector<16xf32>
      %max3A_759 = arith.constant 0.000000e+00 : f32
      %max3A_760 = vector.broadcast %max3A_759 : f32 to vector<16xf32>
      %max3A_761 = arith.maximumf %sub3A_758, %max3A_760 : vector<16xf32>
      %mul3A_762 = arith.mulf %max3A_755, %max3A_761 : vector<16xf32>
      %add3A_763 = arith.addf %broadcast_in_dim3A_749, %mul3A_39 : vector<16xf32>
      %sub3A_764 = arith.subf %add3A_763, %mul3A_762 : vector<16xf32>
      %div3A_765 = arith.divf %mul3A_762, %sub3A_764 : vector<16xf32>
      %gt3A_766 = arith.cmpf ogt, %broadcast_in_dim3A_743, %get3A_32 : vector<16xf32>
      %eq3A_767 = arith.cmpf oeq, %broadcast_in_dim3A_743, %get3A_32 : vector<16xf32>
      %lt3A_768 = arith.cmpf olt, %broadcast_in_dim3A_746, %get3A_37 : vector<16xf32>
      %and3A_769 = arith.andi %eq3A_767, %lt3A_768 : vector<16xi1>
      %or3A_770 = arith.ori %gt3A_766, %and3A_769 : vector<16xi1>
      %jit3A_771 = arith.constant 0.000000e+00 : f32
      %broadcast_in_dim3A_772 = vector.broadcast %jit3A_771 : f32 to vector<16xf32>
      %select_n3A_773 = arith.select %or3A_770, %div3A_765, %broadcast_in_dim3A_772 : vector<16xi1>, vector<16xf32>
      %max3A_774 = arith.maximumf %max3A_728, %select_n3A_773 : vector<16xf32>
      %slice3A_775 = vector.extract_strided_slice %get3A_68 {offsets = [15], sizes = [1], strides = [1]} : vector<16xf32> to vector<1xf32>
      %squeeze3A_776 = vector.extract %slice3A_775[0] : f32 from vector<1xf32>
      %broadcast_in_dim3A_777 = vector.broadcast %squeeze3A_776 : f32 to vector<16xf32>
      %slice3A_778 = vector.extract_strided_slice %get3A_73 {offsets = [15], sizes = [1], strides = [1]} : vector<16xf32> to vector<1xf32>
      %squeeze3A_779 = vector.extract %slice3A_778[0] : f32 from vector<1xf32>
      %broadcast_in_dim3A_780 = vector.broadcast %squeeze3A_779 : f32 to vector<16xf32>
      %slice3A_781 = vector.extract_strided_slice %get3A_78 {offsets = [15], sizes = [1], strides = [1]} : vector<16xf32> to vector<1xf32>
      %squeeze3A_782 = vector.extract %slice3A_781[0] : f32 from vector<1xf32>
      %broadcast_in_dim3A_783 = vector.broadcast %squeeze3A_782 : f32 to vector<16xf32>
      %slice3A_784 = vector.extract_strided_slice %get3A_83 {offsets = [15], sizes = [1], strides = [1]} : vector<16xf32> to vector<1xf32>
      %squeeze3A_785 = vector.extract %slice3A_784[0] : f32 from vector<1xf32>
      %broadcast_in_dim3A_786 = vector.broadcast %squeeze3A_785 : f32 to vector<16xf32>
      %slice3A_787 = vector.extract_strided_slice %get3A_88 {offsets = [15], sizes = [1], strides = [1]} : vector<16xf32> to vector<1xf32>
      %squeeze3A_788 = vector.extract %slice3A_787[0] : f32 from vector<1xf32>
      %broadcast_in_dim3A_789 = vector.broadcast %squeeze3A_788 : f32 to vector<16xf32>
      %slice3A_790 = vector.extract_strided_slice %get3A_93 {offsets = [15], sizes = [1], strides = [1]} : vector<16xf32> to vector<1xf32>
      %squeeze3A_791 = vector.extract %slice3A_790[0] : f32 from vector<1xf32>
      %broadcast_in_dim3A_792 = vector.broadcast %squeeze3A_791 : f32 to vector<16xf32>
      %slice3A_793 = vector.extract_strided_slice %mul3A_96 {offsets = [15], sizes = [1], strides = [1]} : vector<16xf32> to vector<1xf32>
      %squeeze3A_794 = vector.extract %slice3A_793[0] : f32 from vector<1xf32>
      %broadcast_in_dim3A_795 = vector.broadcast %squeeze3A_794 : f32 to vector<16xf32>
      %min3A_796 = arith.minimumf %broadcast_in_dim3A_783, %get3A_22 : vector<16xf32>
      %max3A_797 = arith.maximumf %broadcast_in_dim3A_777, %get3A_12 : vector<16xf32>
      %sub3A_798 = arith.subf %min3A_796, %max3A_797 : vector<16xf32>
      %max3A_799 = arith.constant 0.000000e+00 : f32
      %max3A_800 = vector.broadcast %max3A_799 : f32 to vector<16xf32>
      %max3A_801 = arith.maximumf %sub3A_798, %max3A_800 : vector<16xf32>
      %min3A_802 = arith.minimumf %broadcast_in_dim3A_786, %get3A_27 : vector<16xf32>
      %max3A_803 = arith.maximumf %broadcast_in_dim3A_780, %get3A_17 : vector<16xf32>
      %sub3A_804 = arith.subf %min3A_802, %max3A_803 : vector<16xf32>
      %max3A_805 = arith.constant 0.000000e+00 : f32
      %max3A_806 = vector.broadcast %max3A_805 : f32 to vector<16xf32>
      %max3A_807 = arith.maximumf %sub3A_804, %max3A_806 : vector<16xf32>
      %mul3A_808 = arith.mulf %max3A_801, %max3A_807 : vector<16xf32>
      %add3A_809 = arith.addf %broadcast_in_dim3A_795, %mul3A_39 : vector<16xf32>
      %sub3A_810 = arith.subf %add3A_809, %mul3A_808 : vector<16xf32>
      %div3A_811 = arith.divf %mul3A_808, %sub3A_810 : vector<16xf32>
      %gt3A_812 = arith.cmpf ogt, %broadcast_in_dim3A_789, %get3A_32 : vector<16xf32>
      %eq3A_813 = arith.cmpf oeq, %broadcast_in_dim3A_789, %get3A_32 : vector<16xf32>
      %lt3A_814 = arith.cmpf olt, %broadcast_in_dim3A_792, %get3A_37 : vector<16xf32>
      %and3A_815 = arith.andi %eq3A_813, %lt3A_814 : vector<16xi1>
      %or3A_816 = arith.ori %gt3A_812, %and3A_815 : vector<16xi1>
      %jit3A_817 = arith.constant 0.000000e+00 : f32
      %broadcast_in_dim3A_818 = vector.broadcast %jit3A_817 : f32 to vector<16xf32>
      %select_n3A_819 = arith.select %or3A_816, %div3A_811, %broadcast_in_dim3A_818 : vector<16xi1>, vector<16xf32>
      %max3A_820 = arith.maximumf %max3A_774, %select_n3A_819 : vector<16xf32>
      scf.yield %max3A_820 : vector<16xf32>
    }
    %scan3A_46 = arith.constant 320 : i32
    %mul3A_47 = arith.mulf %scan3A_45, %scan3A_45 : vector<16xf32>
    %mul3A_48 = arith.constant -2.000000e+00 : f32
    %mul3A_49 = vector.broadcast %mul3A_48 : f32 to vector<16xf32>
    %mul3A_50 = arith.mulf %mul3A_47, %mul3A_49 : vector<16xf32>
    %exp3A = math.exp %mul3A_50 : vector<16xf32>
    %mul3A_51 = arith.mulf %get3A_32, %exp3A : vector<16xf32>
    %mul3A_52 = arith.constant 16 : i32
    %mul3A_53 = arith.muli %scan3A_5, %mul3A_52 : i32
    %swap3A = arith.index_cast %mul3A_53 : i32 to index
    %swap3A_54 = tpu.vector_load %arg5[%swap3A] {strides = array<i32>} : memref<16xf32, #tpu.memory_space<vmem>>, vector<16xf32>,
    %swap3A_55 = vector.shape_cast %swap3A_54 : vector<16xf32> to vector<16xf32>
    %swap3A_56 = vector.shape_cast %mul3A_51 : vector<16xf32> to vector<16xf32>
    tpu.vector_store %arg5[%swap3A], %swap3A_56 {strides = array<i32>} : memref<16xf32, #tpu.memory_space<vmem>>, vector<16xf32>,
    %scan3A_57 = arith.constant 1 : i32
    %mul3A_58 = arith.constant 16 : i32
    %mul3A_59 = arith.muli %add3A, %mul3A_58 : i32
    "tpu.region"() ({
      %run_scoped3A = tpu.sem_alloc : memref<!tpu.dma_semaphore, #tpu.memory_space<semaphore_mem>>
      %dma_start3A = tpu.memref_slice %arg3[%mul3A_59] : memref<512xf32, #tpu.memory_space<hbm>> -> memref<16xf32, #tpu.memory_space<hbm>>
      %dma_start3A_60 = tpu.memref_slice %arg3[%mul3A_59] : memref<512xf32, #tpu.memory_space<hbm>> -> memref<16xf32, #tpu.memory_space<hbm>>
      tpu.enqueue_dma source(%arg5 : memref<16xf32, #tpu.memory_space<vmem>>) target(%dma_start3A_60 : memref<16xf32, #tpu.memory_space<hbm>>) target_semaphore(%run_scoped3A : memref<!tpu.dma_semaphore, #tpu.memory_space<semaphore_mem>>)
      %dma_wait3A = tpu.memref_slice %arg3[%mul3A_59] : memref<512xf32, #tpu.memory_space<hbm>> -> memref<16xf32, #tpu.memory_space<hbm>>
      %dma_wait3A_61 = tpu.memref_slice %arg3[%mul3A_59] : memref<512xf32, #tpu.memory_space<hbm>> -> memref<16xf32, #tpu.memory_space<hbm>>
      tpu.wait_dma2 semaphore(%run_scoped3A : memref<!tpu.dma_semaphore, #tpu.memory_space<semaphore_mem>>) src(%arg5 : memref<16xf32, #tpu.memory_space<vmem>>) dst(%dma_wait3A_61 : memref<16xf32, #tpu.memory_space<hbm>>)
      tpu.yield
    }) : () -> ()
    return
  }
}

module attributes {stable_mosaic.version = 14 : i64} {
  func.func @_tc_body(%arg0: i32, %arg1: memref<8x5120xf32, #tpu.memory_space<vmem>>, %arg2: memref<512x8xf32, #tpu.memory_space<vmem>>, %arg3: memref<512x1xf32, #tpu.memory_space<vmem>>) attributes {dimension_semantics = [#tpu.dimension_semantics<arbitrary>], iteration_bounds = array<i64: 9>, scalar_prefetch = 0 : i64, scratch_operands = 0 : i64, tpu.core_type = #tpu.core_type<tc>, window_params = [{pipeline_mode = #tpu.pipeline_mode<synchronous>, transform_indices = @transform_0, window_bounds = array<i64: 8, 5120>}, {transform_indices = @transform_1, window_bounds = array<i64: 512, 8>}, {transform_indices = @transform_2, window_bounds = array<i64: 512, 1>}]} {
    %get3A = arith.constant 0 : index
    %get3A_0 = arith.constant 0 : index
    %get3A_1 = vector.load %arg2[%get3A, %get3A_0] : memref<512x8xf32, #tpu.memory_space<vmem>>, vector<512x1xf32>
    %broadcast_in_dim3A = vector.shape_cast %get3A_1 : vector<512x1xf32> to vector<512x1xf32>
    %broadcast_in_dim3A_2 = vector.broadcast %broadcast_in_dim3A : vector<512x1xf32> to vector<512x512xf32>
    %get3A_3 = arith.constant 0 : index
    %get3A_4 = arith.constant 1 : index
    %get3A_5 = vector.load %arg2[%get3A_3, %get3A_4] : memref<512x8xf32, #tpu.memory_space<vmem>>, vector<512x1xf32>
    %broadcast_in_dim3A_6 = vector.shape_cast %get3A_5 : vector<512x1xf32> to vector<512x1xf32>
    %broadcast_in_dim3A_7 = vector.broadcast %broadcast_in_dim3A_6 : vector<512x1xf32> to vector<512x512xf32>
    %get3A_8 = arith.constant 0 : index
    %get3A_9 = arith.constant 2 : index
    %get3A_10 = vector.load %arg2[%get3A_8, %get3A_9] : memref<512x8xf32, #tpu.memory_space<vmem>>, vector<512x1xf32>
    %broadcast_in_dim3A_11 = vector.shape_cast %get3A_10 : vector<512x1xf32> to vector<512x1xf32>
    %broadcast_in_dim3A_12 = vector.broadcast %broadcast_in_dim3A_11 : vector<512x1xf32> to vector<512x512xf32>
    %get3A_13 = arith.constant 0 : index
    %get3A_14 = arith.constant 3 : index
    %get3A_15 = vector.load %arg2[%get3A_13, %get3A_14] : memref<512x8xf32, #tpu.memory_space<vmem>>, vector<512x1xf32>
    %broadcast_in_dim3A_16 = vector.shape_cast %get3A_15 : vector<512x1xf32> to vector<512x1xf32>
    %broadcast_in_dim3A_17 = vector.broadcast %broadcast_in_dim3A_16 : vector<512x1xf32> to vector<512x512xf32>
    %get3A_18 = arith.constant 0 : index
    %get3A_19 = arith.constant 4 : index
    %get3A_20 = vector.load %arg2[%get3A_18, %get3A_19] : memref<512x8xf32, #tpu.memory_space<vmem>>, vector<512x1xf32>
    %bitcast_convert_type3A = tpu.bitcast %get3A_20 : vector<512x1xf32> -> vector<512x1xi32>
    %add3A = arith.constant 1 : i32
    %add3A_21 = vector.broadcast %add3A : i32 to vector<512x1xi32>
    %add3A_22 = arith.addi %bitcast_convert_type3A, %add3A_21 : vector<512x1xi32>
    %bitcast_convert_type3A_23 = tpu.bitcast %add3A_22 : vector<512x1xi32> -> vector<512x1xf32>
    %broadcast_in_dim3A_24 = vector.shape_cast %get3A_20 : vector<512x1xf32> to vector<512x1xf32>
    %broadcast_in_dim3A_25 = vector.broadcast %broadcast_in_dim3A_24 : vector<512x1xf32> to vector<512x512xf32>
    %broadcast_in_dim3A_26 = vector.shape_cast %bitcast_convert_type3A_23 : vector<512x1xf32> to vector<512x1xf32>
    %broadcast_in_dim3A_27 = vector.broadcast %broadcast_in_dim3A_26 : vector<512x1xf32> to vector<512x512xf32>
    %get3A_28 = arith.constant 0 : index
    %get3A_29 = arith.constant 2 : index
    %get3A_30 = vector.load %arg2[%get3A_28, %get3A_29] : memref<512x8xf32, #tpu.memory_space<vmem>>, vector<512x1xf32>
    %get3A_31 = arith.constant 0 : index
    %get3A_32 = arith.constant 0 : index
    %get3A_33 = vector.load %arg2[%get3A_31, %get3A_32] : memref<512x8xf32, #tpu.memory_space<vmem>>, vector<512x1xf32>
    %sub3A = arith.subf %get3A_30, %get3A_33 : vector<512x1xf32>
    %get3A_34 = arith.constant 0 : index
    %get3A_35 = arith.constant 3 : index
    %get3A_36 = vector.load %arg2[%get3A_34, %get3A_35] : memref<512x8xf32, #tpu.memory_space<vmem>>, vector<512x1xf32>
    %get3A_37 = arith.constant 0 : index
    %get3A_38 = arith.constant 1 : index
    %get3A_39 = vector.load %arg2[%get3A_37, %get3A_38] : memref<512x8xf32, #tpu.memory_space<vmem>>, vector<512x1xf32>
    %sub3A_40 = arith.subf %get3A_36, %get3A_39 : vector<512x1xf32>
    %mul3A = arith.mulf %sub3A, %sub3A_40 : vector<512x1xf32>
    %broadcast_in_dim3A_41 = vector.shape_cast %mul3A : vector<512x1xf32> to vector<512x1xf32>
    %broadcast_in_dim3A_42 = vector.broadcast %broadcast_in_dim3A_41 : vector<512x1xf32> to vector<512x512xf32>
    %iota3A = tpu.iota {dimensions = array<i32: 1>} : vector<1x512xi32>
    %mul3A_43 = arith.constant 512 : i32
    %mul3A_44 = arith.muli %arg0, %mul3A_43 : i32
    %iota3A_45 = tpu.iota {dimensions = array<i32: 0>} : vector<512x1xi32>
    %add3A_46 = vector.broadcast %mul3A_44 : i32 to vector<512x1xi32>
    %add3A_47 = arith.addi %add3A_46, %iota3A_45 : vector<512x1xi32>
    %broadcast_in_dim3A_48 = arith.constant 3.000000e+38 : f32
    %broadcast_in_dim3A_49 = vector.broadcast %broadcast_in_dim3A_48 : f32 to vector<512x512xf32>
    %broadcast_in_dim3A_50 = arith.constant 3.000000e+38 : f32
    %broadcast_in_dim3A_51 = vector.broadcast %broadcast_in_dim3A_50 : f32 to vector<512x512xf32>
    %add3A_52 = arith.constant 0 : i32
    %add3A_53 = vector.broadcast %add3A_52 : i32 to vector<1x512xi32>
    %add3A_54 = arith.addi %add3A_53, %iota3A : vector<1x512xi32>
    %lt3A = vector.broadcast %add3A_54 : vector<1x512xi32> to vector<512x512xi32>
    %lt3A_55 = vector.broadcast %add3A_47 : vector<512x1xi32> to vector<512x512xi32>
    %lt3A_56 = arith.cmpi slt, %lt3A, %lt3A_55 : vector<512x512xi32>
    %select_n3A = arith.select %lt3A_56, %broadcast_in_dim3A_25, %broadcast_in_dim3A_27 : vector<512x512xi1>, vector<512x512xf32>
    %get3A_57 = arith.constant 0 : index
    %get3A_58 = arith.constant 0 : index
    %get3A_59 = vector.load %arg1[%get3A_57, %get3A_58] : memref<8x5120xf32, #tpu.memory_space<vmem>>, vector<1x512xf32>
    %get3A_60 = arith.constant 1 : index
    %get3A_61 = arith.constant 0 : index
    %get3A_62 = vector.load %arg1[%get3A_60, %get3A_61] : memref<8x5120xf32, #tpu.memory_space<vmem>>, vector<1x512xf32>
    %get3A_63 = arith.constant 2 : index
    %get3A_64 = arith.constant 0 : index
    %get3A_65 = vector.load %arg1[%get3A_63, %get3A_64] : memref<8x5120xf32, #tpu.memory_space<vmem>>, vector<1x512xf32>
    %get3A_66 = arith.constant 3 : index
    %get3A_67 = arith.constant 0 : index
    %get3A_68 = vector.load %arg1[%get3A_66, %get3A_67] : memref<8x5120xf32, #tpu.memory_space<vmem>>, vector<1x512xf32>
    %get3A_69 = arith.constant 4 : index
    %get3A_70 = arith.constant 0 : index
    %get3A_71 = vector.load %arg1[%get3A_69, %get3A_70] : memref<8x5120xf32, #tpu.memory_space<vmem>>, vector<1x512xf32>
    %min3A = vector.broadcast %get3A_65 : vector<1x512xf32> to vector<512x512xf32>
    %min3A_72 = arith.minimumf %min3A, %broadcast_in_dim3A_12 : vector<512x512xf32>
    %max3A = vector.broadcast %get3A_59 : vector<1x512xf32> to vector<512x512xf32>
    %max3A_73 = arith.maximumf %max3A, %broadcast_in_dim3A_2 : vector<512x512xf32>
    %sub3A_74 = arith.subf %min3A_72, %max3A_73 : vector<512x512xf32>
    %max3A_75 = arith.constant 0.000000e+00 : f32
    %max3A_76 = vector.broadcast %max3A_75 : f32 to vector<512x512xf32>
    %max3A_77 = arith.maximumf %sub3A_74, %max3A_76 : vector<512x512xf32>
    %min3A_78 = vector.broadcast %get3A_68 : vector<1x512xf32> to vector<512x512xf32>
    %min3A_79 = arith.minimumf %min3A_78, %broadcast_in_dim3A_17 : vector<512x512xf32>
    %max3A_80 = vector.broadcast %get3A_62 : vector<1x512xf32> to vector<512x512xf32>
    %max3A_81 = arith.maximumf %max3A_80, %broadcast_in_dim3A_7 : vector<512x512xf32>
    %sub3A_82 = arith.subf %min3A_79, %max3A_81 : vector<512x512xf32>
    %mul3A_83 = arith.mulf %max3A_77, %sub3A_82 : vector<512x512xf32>
    %max3A_84 = arith.constant 9.99999968E-21 : f32
    %max3A_85 = vector.broadcast %max3A_84 : f32 to vector<512x512xf32>
    %max3A_86 = arith.maximumf %mul3A_83, %max3A_85 : vector<512x512xf32>
    %sub3A_87 = arith.subf %get3A_65, %get3A_59 : vector<1x512xf32>
    %sub3A_88 = arith.subf %get3A_68, %get3A_62 : vector<1x512xf32>
    %mul3A_89 = arith.mulf %sub3A_87, %sub3A_88 : vector<1x512xf32>
    %add3A_90 = vector.broadcast %mul3A_89 : vector<1x512xf32> to vector<512x512xf32>
    %add3A_91 = arith.addf %add3A_90, %broadcast_in_dim3A_42 : vector<512x512xf32>
    %div3A = arith.divf %add3A_91, %max3A_86 : vector<512x512xf32>
    %ge3A = vector.broadcast %get3A_71 : vector<1x512xf32> to vector<512x512xf32>
    %ge3A_92 = arith.cmpf oge, %ge3A, %select_n3A : vector<512x512xf32>
    %jit3A = arith.constant 3.000000e+38 : f32
    %broadcast_in_dim3A_93 = vector.broadcast %jit3A : f32 to vector<512x512xf32>
    %select_n3A_94 = arith.select %ge3A_92, %div3A, %broadcast_in_dim3A_93 : vector<512x512xi1>, vector<512x512xf32>
    %min3A_95 = arith.minimumf %broadcast_in_dim3A_49, %select_n3A_94 : vector<512x512xf32>
    %add3A_96 = arith.constant 512 : i32
    %add3A_97 = vector.broadcast %add3A_96 : i32 to vector<1x512xi32>
    %add3A_98 = arith.addi %add3A_97, %iota3A : vector<1x512xi32>
    %lt3A_99 = vector.broadcast %add3A_98 : vector<1x512xi32> to vector<512x512xi32>
    %lt3A_100 = vector.broadcast %add3A_47 : vector<512x1xi32> to vector<512x512xi32>
    %lt3A_101 = arith.cmpi slt, %lt3A_99, %lt3A_100 : vector<512x512xi32>
    %select_n3A_102 = arith.select %lt3A_101, %broadcast_in_dim3A_25, %broadcast_in_dim3A_27 : vector<512x512xi1>, vector<512x512xf32>
    %get3A_103 = arith.constant 0 : index
    %get3A_104 = arith.constant 512 : index
    %get3A_105 = vector.load %arg1[%get3A_103, %get3A_104] : memref<8x5120xf32, #tpu.memory_space<vmem>>, vector<1x512xf32>
    %get3A_106 = arith.constant 1 : index
    %get3A_107 = arith.constant 512 : index
    %get3A_108 = vector.load %arg1[%get3A_106, %get3A_107] : memref<8x5120xf32, #tpu.memory_space<vmem>>, vector<1x512xf32>
    %get3A_109 = arith.constant 2 : index
    %get3A_110 = arith.constant 512 : index
    %get3A_111 = vector.load %arg1[%get3A_109, %get3A_110] : memref<8x5120xf32, #tpu.memory_space<vmem>>, vector<1x512xf32>
    %get3A_112 = arith.constant 3 : index
    %get3A_113 = arith.constant 512 : index
    %get3A_114 = vector.load %arg1[%get3A_112, %get3A_113] : memref<8x5120xf32, #tpu.memory_space<vmem>>, vector<1x512xf32>
    %get3A_115 = arith.constant 4 : index
    %get3A_116 = arith.constant 512 : index
    %get3A_117 = vector.load %arg1[%get3A_115, %get3A_116] : memref<8x5120xf32, #tpu.memory_space<vmem>>, vector<1x512xf32>
    %min3A_118 = vector.broadcast %get3A_111 : vector<1x512xf32> to vector<512x512xf32>
    %min3A_119 = arith.minimumf %min3A_118, %broadcast_in_dim3A_12 : vector<512x512xf32>
    %max3A_120 = vector.broadcast %get3A_105 : vector<1x512xf32> to vector<512x512xf32>
    %max3A_121 = arith.maximumf %max3A_120, %broadcast_in_dim3A_2 : vector<512x512xf32>
    %sub3A_122 = arith.subf %min3A_119, %max3A_121 : vector<512x512xf32>
    %max3A_123 = arith.constant 0.000000e+00 : f32
    %max3A_124 = vector.broadcast %max3A_123 : f32 to vector<512x512xf32>
    %max3A_125 = arith.maximumf %sub3A_122, %max3A_124 : vector<512x512xf32>
    %min3A_126 = vector.broadcast %get3A_114 : vector<1x512xf32> to vector<512x512xf32>
    %min3A_127 = arith.minimumf %min3A_126, %broadcast_in_dim3A_17 : vector<512x512xf32>
    %max3A_128 = vector.broadcast %get3A_108 : vector<1x512xf32> to vector<512x512xf32>
    %max3A_129 = arith.maximumf %max3A_128, %broadcast_in_dim3A_7 : vector<512x512xf32>
    %sub3A_130 = arith.subf %min3A_127, %max3A_129 : vector<512x512xf32>
    %mul3A_131 = arith.mulf %max3A_125, %sub3A_130 : vector<512x512xf32>
    %max3A_132 = arith.constant 9.99999968E-21 : f32
    %max3A_133 = vector.broadcast %max3A_132 : f32 to vector<512x512xf32>
    %max3A_134 = arith.maximumf %mul3A_131, %max3A_133 : vector<512x512xf32>
    %sub3A_135 = arith.subf %get3A_111, %get3A_105 : vector<1x512xf32>
    %sub3A_136 = arith.subf %get3A_114, %get3A_108 : vector<1x512xf32>
    %mul3A_137 = arith.mulf %sub3A_135, %sub3A_136 : vector<1x512xf32>
    %add3A_138 = vector.broadcast %mul3A_137 : vector<1x512xf32> to vector<512x512xf32>
    %add3A_139 = arith.addf %add3A_138, %broadcast_in_dim3A_42 : vector<512x512xf32>
    %div3A_140 = arith.divf %add3A_139, %max3A_134 : vector<512x512xf32>
    %ge3A_141 = vector.broadcast %get3A_117 : vector<1x512xf32> to vector<512x512xf32>
    %ge3A_142 = arith.cmpf oge, %ge3A_141, %select_n3A_102 : vector<512x512xf32>
    %jit3A_143 = arith.constant 3.000000e+38 : f32
    %broadcast_in_dim3A_144 = vector.broadcast %jit3A_143 : f32 to vector<512x512xf32>
    %select_n3A_145 = arith.select %ge3A_142, %div3A_140, %broadcast_in_dim3A_144 : vector<512x512xi1>, vector<512x512xf32>
    %min3A_146 = arith.minimumf %broadcast_in_dim3A_51, %select_n3A_145 : vector<512x512xf32>
    %add3A_147 = arith.constant 1024 : i32
    %add3A_148 = vector.broadcast %add3A_147 : i32 to vector<1x512xi32>
    %add3A_149 = arith.addi %add3A_148, %iota3A : vector<1x512xi32>
    %lt3A_150 = vector.broadcast %add3A_149 : vector<1x512xi32> to vector<512x512xi32>
    %lt3A_151 = vector.broadcast %add3A_47 : vector<512x1xi32> to vector<512x512xi32>
    %lt3A_152 = arith.cmpi slt, %lt3A_150, %lt3A_151 : vector<512x512xi32>
    %select_n3A_153 = arith.select %lt3A_152, %broadcast_in_dim3A_25, %broadcast_in_dim3A_27 : vector<512x512xi1>, vector<512x512xf32>
    %get3A_154 = arith.constant 0 : index
    %get3A_155 = arith.constant 1024 : index
    %get3A_156 = vector.load %arg1[%get3A_154, %get3A_155] : memref<8x5120xf32, #tpu.memory_space<vmem>>, vector<1x512xf32>
    %get3A_157 = arith.constant 1 : index
    %get3A_158 = arith.constant 1024 : index
    %get3A_159 = vector.load %arg1[%get3A_157, %get3A_158] : memref<8x5120xf32, #tpu.memory_space<vmem>>, vector<1x512xf32>
    %get3A_160 = arith.constant 2 : index
    %get3A_161 = arith.constant 1024 : index
    %get3A_162 = vector.load %arg1[%get3A_160, %get3A_161] : memref<8x5120xf32, #tpu.memory_space<vmem>>, vector<1x512xf32>
    %get3A_163 = arith.constant 3 : index
    %get3A_164 = arith.constant 1024 : index
    %get3A_165 = vector.load %arg1[%get3A_163, %get3A_164] : memref<8x5120xf32, #tpu.memory_space<vmem>>, vector<1x512xf32>
    %get3A_166 = arith.constant 4 : index
    %get3A_167 = arith.constant 1024 : index
    %get3A_168 = vector.load %arg1[%get3A_166, %get3A_167] : memref<8x5120xf32, #tpu.memory_space<vmem>>, vector<1x512xf32>
    %min3A_169 = vector.broadcast %get3A_162 : vector<1x512xf32> to vector<512x512xf32>
    %min3A_170 = arith.minimumf %min3A_169, %broadcast_in_dim3A_12 : vector<512x512xf32>
    %max3A_171 = vector.broadcast %get3A_156 : vector<1x512xf32> to vector<512x512xf32>
    %max3A_172 = arith.maximumf %max3A_171, %broadcast_in_dim3A_2 : vector<512x512xf32>
    %sub3A_173 = arith.subf %min3A_170, %max3A_172 : vector<512x512xf32>
    %max3A_174 = arith.constant 0.000000e+00 : f32
    %max3A_175 = vector.broadcast %max3A_174 : f32 to vector<512x512xf32>
    %max3A_176 = arith.maximumf %sub3A_173, %max3A_175 : vector<512x512xf32>
    %min3A_177 = vector.broadcast %get3A_165 : vector<1x512xf32> to vector<512x512xf32>
    %min3A_178 = arith.minimumf %min3A_177, %broadcast_in_dim3A_17 : vector<512x512xf32>
    %max3A_179 = vector.broadcast %get3A_159 : vector<1x512xf32> to vector<512x512xf32>
    %max3A_180 = arith.maximumf %max3A_179, %broadcast_in_dim3A_7 : vector<512x512xf32>
    %sub3A_181 = arith.subf %min3A_178, %max3A_180 : vector<512x512xf32>
    %mul3A_182 = arith.mulf %max3A_176, %sub3A_181 : vector<512x512xf32>
    %max3A_183 = arith.constant 9.99999968E-21 : f32
    %max3A_184 = vector.broadcast %max3A_183 : f32 to vector<512x512xf32>
    %max3A_185 = arith.maximumf %mul3A_182, %max3A_184 : vector<512x512xf32>
    %sub3A_186 = arith.subf %get3A_162, %get3A_156 : vector<1x512xf32>
    %sub3A_187 = arith.subf %get3A_165, %get3A_159 : vector<1x512xf32>
    %mul3A_188 = arith.mulf %sub3A_186, %sub3A_187 : vector<1x512xf32>
    %add3A_189 = vector.broadcast %mul3A_188 : vector<1x512xf32> to vector<512x512xf32>
    %add3A_190 = arith.addf %add3A_189, %broadcast_in_dim3A_42 : vector<512x512xf32>
    %div3A_191 = arith.divf %add3A_190, %max3A_185 : vector<512x512xf32>
    %ge3A_192 = vector.broadcast %get3A_168 : vector<1x512xf32> to vector<512x512xf32>
    %ge3A_193 = arith.cmpf oge, %ge3A_192, %select_n3A_153 : vector<512x512xf32>
    %jit3A_194 = arith.constant 3.000000e+38 : f32
    %broadcast_in_dim3A_195 = vector.broadcast %jit3A_194 : f32 to vector<512x512xf32>
    %select_n3A_196 = arith.select %ge3A_193, %div3A_191, %broadcast_in_dim3A_195 : vector<512x512xi1>, vector<512x512xf32>
    %min3A_197 = arith.minimumf %min3A_95, %select_n3A_196 : vector<512x512xf32>
    %add3A_198 = arith.constant 1536 : i32
    %add3A_199 = vector.broadcast %add3A_198 : i32 to vector<1x512xi32>
    %add3A_200 = arith.addi %add3A_199, %iota3A : vector<1x512xi32>
    %lt3A_201 = vector.broadcast %add3A_200 : vector<1x512xi32> to vector<512x512xi32>
    %lt3A_202 = vector.broadcast %add3A_47 : vector<512x1xi32> to vector<512x512xi32>
    %lt3A_203 = arith.cmpi slt, %lt3A_201, %lt3A_202 : vector<512x512xi32>
    %select_n3A_204 = arith.select %lt3A_203, %broadcast_in_dim3A_25, %broadcast_in_dim3A_27 : vector<512x512xi1>, vector<512x512xf32>
    %get3A_205 = arith.constant 0 : index
    %get3A_206 = arith.constant 1536 : index
    %get3A_207 = vector.load %arg1[%get3A_205, %get3A_206] : memref<8x5120xf32, #tpu.memory_space<vmem>>, vector<1x512xf32>
    %get3A_208 = arith.constant 1 : index
    %get3A_209 = arith.constant 1536 : index
    %get3A_210 = vector.load %arg1[%get3A_208, %get3A_209] : memref<8x5120xf32, #tpu.memory_space<vmem>>, vector<1x512xf32>
    %get3A_211 = arith.constant 2 : index
    %get3A_212 = arith.constant 1536 : index
    %get3A_213 = vector.load %arg1[%get3A_211, %get3A_212] : memref<8x5120xf32, #tpu.memory_space<vmem>>, vector<1x512xf32>
    %get3A_214 = arith.constant 3 : index
    %get3A_215 = arith.constant 1536 : index
    %get3A_216 = vector.load %arg1[%get3A_214, %get3A_215] : memref<8x5120xf32, #tpu.memory_space<vmem>>, vector<1x512xf32>
    %get3A_217 = arith.constant 4 : index
    %get3A_218 = arith.constant 1536 : index
    %get3A_219 = vector.load %arg1[%get3A_217, %get3A_218] : memref<8x5120xf32, #tpu.memory_space<vmem>>, vector<1x512xf32>
    %min3A_220 = vector.broadcast %get3A_213 : vector<1x512xf32> to vector<512x512xf32>
    %min3A_221 = arith.minimumf %min3A_220, %broadcast_in_dim3A_12 : vector<512x512xf32>
    %max3A_222 = vector.broadcast %get3A_207 : vector<1x512xf32> to vector<512x512xf32>
    %max3A_223 = arith.maximumf %max3A_222, %broadcast_in_dim3A_2 : vector<512x512xf32>
    %sub3A_224 = arith.subf %min3A_221, %max3A_223 : vector<512x512xf32>
    %max3A_225 = arith.constant 0.000000e+00 : f32
    %max3A_226 = vector.broadcast %max3A_225 : f32 to vector<512x512xf32>
    %max3A_227 = arith.maximumf %sub3A_224, %max3A_226 : vector<512x512xf32>
    %min3A_228 = vector.broadcast %get3A_216 : vector<1x512xf32> to vector<512x512xf32>
    %min3A_229 = arith.minimumf %min3A_228, %broadcast_in_dim3A_17 : vector<512x512xf32>
    %max3A_230 = vector.broadcast %get3A_210 : vector<1x512xf32> to vector<512x512xf32>
    %max3A_231 = arith.maximumf %max3A_230, %broadcast_in_dim3A_7 : vector<512x512xf32>
    %sub3A_232 = arith.subf %min3A_229, %max3A_231 : vector<512x512xf32>
    %mul3A_233 = arith.mulf %max3A_227, %sub3A_232 : vector<512x512xf32>
    %max3A_234 = arith.constant 9.99999968E-21 : f32
    %max3A_235 = vector.broadcast %max3A_234 : f32 to vector<512x512xf32>
    %max3A_236 = arith.maximumf %mul3A_233, %max3A_235 : vector<512x512xf32>
    %sub3A_237 = arith.subf %get3A_213, %get3A_207 : vector<1x512xf32>
    %sub3A_238 = arith.subf %get3A_216, %get3A_210 : vector<1x512xf32>
    %mul3A_239 = arith.mulf %sub3A_237, %sub3A_238 : vector<1x512xf32>
    %add3A_240 = vector.broadcast %mul3A_239 : vector<1x512xf32> to vector<512x512xf32>
    %add3A_241 = arith.addf %add3A_240, %broadcast_in_dim3A_42 : vector<512x512xf32>
    %div3A_242 = arith.divf %add3A_241, %max3A_236 : vector<512x512xf32>
    %ge3A_243 = vector.broadcast %get3A_219 : vector<1x512xf32> to vector<512x512xf32>
    %ge3A_244 = arith.cmpf oge, %ge3A_243, %select_n3A_204 : vector<512x512xf32>
    %jit3A_245 = arith.constant 3.000000e+38 : f32
    %broadcast_in_dim3A_246 = vector.broadcast %jit3A_245 : f32 to vector<512x512xf32>
    %select_n3A_247 = arith.select %ge3A_244, %div3A_242, %broadcast_in_dim3A_246 : vector<512x512xi1>, vector<512x512xf32>
    %min3A_248 = arith.minimumf %min3A_146, %select_n3A_247 : vector<512x512xf32>
    %add3A_249 = arith.constant 2048 : i32
    %add3A_250 = vector.broadcast %add3A_249 : i32 to vector<1x512xi32>
    %add3A_251 = arith.addi %add3A_250, %iota3A : vector<1x512xi32>
    %lt3A_252 = vector.broadcast %add3A_251 : vector<1x512xi32> to vector<512x512xi32>
    %lt3A_253 = vector.broadcast %add3A_47 : vector<512x1xi32> to vector<512x512xi32>
    %lt3A_254 = arith.cmpi slt, %lt3A_252, %lt3A_253 : vector<512x512xi32>
    %select_n3A_255 = arith.select %lt3A_254, %broadcast_in_dim3A_25, %broadcast_in_dim3A_27 : vector<512x512xi1>, vector<512x512xf32>
    %get3A_256 = arith.constant 0 : index
    %get3A_257 = arith.constant 2048 : index
    %get3A_258 = vector.load %arg1[%get3A_256, %get3A_257] : memref<8x5120xf32, #tpu.memory_space<vmem>>, vector<1x512xf32>
    %get3A_259 = arith.constant 1 : index
    %get3A_260 = arith.constant 2048 : index
    %get3A_261 = vector.load %arg1[%get3A_259, %get3A_260] : memref<8x5120xf32, #tpu.memory_space<vmem>>, vector<1x512xf32>
    %get3A_262 = arith.constant 2 : index
    %get3A_263 = arith.constant 2048 : index
    %get3A_264 = vector.load %arg1[%get3A_262, %get3A_263] : memref<8x5120xf32, #tpu.memory_space<vmem>>, vector<1x512xf32>
    %get3A_265 = arith.constant 3 : index
    %get3A_266 = arith.constant 2048 : index
    %get3A_267 = vector.load %arg1[%get3A_265, %get3A_266] : memref<8x5120xf32, #tpu.memory_space<vmem>>, vector<1x512xf32>
    %get3A_268 = arith.constant 4 : index
    %get3A_269 = arith.constant 2048 : index
    %get3A_270 = vector.load %arg1[%get3A_268, %get3A_269] : memref<8x5120xf32, #tpu.memory_space<vmem>>, vector<1x512xf32>
    %min3A_271 = vector.broadcast %get3A_264 : vector<1x512xf32> to vector<512x512xf32>
    %min3A_272 = arith.minimumf %min3A_271, %broadcast_in_dim3A_12 : vector<512x512xf32>
    %max3A_273 = vector.broadcast %get3A_258 : vector<1x512xf32> to vector<512x512xf32>
    %max3A_274 = arith.maximumf %max3A_273, %broadcast_in_dim3A_2 : vector<512x512xf32>
    %sub3A_275 = arith.subf %min3A_272, %max3A_274 : vector<512x512xf32>
    %max3A_276 = arith.constant 0.000000e+00 : f32
    %max3A_277 = vector.broadcast %max3A_276 : f32 to vector<512x512xf32>
    %max3A_278 = arith.maximumf %sub3A_275, %max3A_277 : vector<512x512xf32>
    %min3A_279 = vector.broadcast %get3A_267 : vector<1x512xf32> to vector<512x512xf32>
    %min3A_280 = arith.minimumf %min3A_279, %broadcast_in_dim3A_17 : vector<512x512xf32>
    %max3A_281 = vector.broadcast %get3A_261 : vector<1x512xf32> to vector<512x512xf32>
    %max3A_282 = arith.maximumf %max3A_281, %broadcast_in_dim3A_7 : vector<512x512xf32>
    %sub3A_283 = arith.subf %min3A_280, %max3A_282 : vector<512x512xf32>
    %mul3A_284 = arith.mulf %max3A_278, %sub3A_283 : vector<512x512xf32>
    %max3A_285 = arith.constant 9.99999968E-21 : f32
    %max3A_286 = vector.broadcast %max3A_285 : f32 to vector<512x512xf32>
    %max3A_287 = arith.maximumf %mul3A_284, %max3A_286 : vector<512x512xf32>
    %sub3A_288 = arith.subf %get3A_264, %get3A_258 : vector<1x512xf32>
    %sub3A_289 = arith.subf %get3A_267, %get3A_261 : vector<1x512xf32>
    %mul3A_290 = arith.mulf %sub3A_288, %sub3A_289 : vector<1x512xf32>
    %add3A_291 = vector.broadcast %mul3A_290 : vector<1x512xf32> to vector<512x512xf32>
    %add3A_292 = arith.addf %add3A_291, %broadcast_in_dim3A_42 : vector<512x512xf32>
    %div3A_293 = arith.divf %add3A_292, %max3A_287 : vector<512x512xf32>
    %ge3A_294 = vector.broadcast %get3A_270 : vector<1x512xf32> to vector<512x512xf32>
    %ge3A_295 = arith.cmpf oge, %ge3A_294, %select_n3A_255 : vector<512x512xf32>
    %jit3A_296 = arith.constant 3.000000e+38 : f32
    %broadcast_in_dim3A_297 = vector.broadcast %jit3A_296 : f32 to vector<512x512xf32>
    %select_n3A_298 = arith.select %ge3A_295, %div3A_293, %broadcast_in_dim3A_297 : vector<512x512xi1>, vector<512x512xf32>
    %min3A_299 = arith.minimumf %min3A_197, %select_n3A_298 : vector<512x512xf32>
    %add3A_300 = arith.constant 2560 : i32
    %add3A_301 = vector.broadcast %add3A_300 : i32 to vector<1x512xi32>
    %add3A_302 = arith.addi %add3A_301, %iota3A : vector<1x512xi32>
    %lt3A_303 = vector.broadcast %add3A_302 : vector<1x512xi32> to vector<512x512xi32>
    %lt3A_304 = vector.broadcast %add3A_47 : vector<512x1xi32> to vector<512x512xi32>
    %lt3A_305 = arith.cmpi slt, %lt3A_303, %lt3A_304 : vector<512x512xi32>
    %select_n3A_306 = arith.select %lt3A_305, %broadcast_in_dim3A_25, %broadcast_in_dim3A_27 : vector<512x512xi1>, vector<512x512xf32>
    %get3A_307 = arith.constant 0 : index
    %get3A_308 = arith.constant 2560 : index
    %get3A_309 = vector.load %arg1[%get3A_307, %get3A_308] : memref<8x5120xf32, #tpu.memory_space<vmem>>, vector<1x512xf32>
    %get3A_310 = arith.constant 1 : index
    %get3A_311 = arith.constant 2560 : index
    %get3A_312 = vector.load %arg1[%get3A_310, %get3A_311] : memref<8x5120xf32, #tpu.memory_space<vmem>>, vector<1x512xf32>
    %get3A_313 = arith.constant 2 : index
    %get3A_314 = arith.constant 2560 : index
    %get3A_315 = vector.load %arg1[%get3A_313, %get3A_314] : memref<8x5120xf32, #tpu.memory_space<vmem>>, vector<1x512xf32>
    %get3A_316 = arith.constant 3 : index
    %get3A_317 = arith.constant 2560 : index
    %get3A_318 = vector.load %arg1[%get3A_316, %get3A_317] : memref<8x5120xf32, #tpu.memory_space<vmem>>, vector<1x512xf32>
    %get3A_319 = arith.constant 4 : index
    %get3A_320 = arith.constant 2560 : index
    %get3A_321 = vector.load %arg1[%get3A_319, %get3A_320] : memref<8x5120xf32, #tpu.memory_space<vmem>>, vector<1x512xf32>
    %min3A_322 = vector.broadcast %get3A_315 : vector<1x512xf32> to vector<512x512xf32>
    %min3A_323 = arith.minimumf %min3A_322, %broadcast_in_dim3A_12 : vector<512x512xf32>
    %max3A_324 = vector.broadcast %get3A_309 : vector<1x512xf32> to vector<512x512xf32>
    %max3A_325 = arith.maximumf %max3A_324, %broadcast_in_dim3A_2 : vector<512x512xf32>
    %sub3A_326 = arith.subf %min3A_323, %max3A_325 : vector<512x512xf32>
    %max3A_327 = arith.constant 0.000000e+00 : f32
    %max3A_328 = vector.broadcast %max3A_327 : f32 to vector<512x512xf32>
    %max3A_329 = arith.maximumf %sub3A_326, %max3A_328 : vector<512x512xf32>
    %min3A_330 = vector.broadcast %get3A_318 : vector<1x512xf32> to vector<512x512xf32>
    %min3A_331 = arith.minimumf %min3A_330, %broadcast_in_dim3A_17 : vector<512x512xf32>
    %max3A_332 = vector.broadcast %get3A_312 : vector<1x512xf32> to vector<512x512xf32>
    %max3A_333 = arith.maximumf %max3A_332, %broadcast_in_dim3A_7 : vector<512x512xf32>
    %sub3A_334 = arith.subf %min3A_331, %max3A_333 : vector<512x512xf32>
    %mul3A_335 = arith.mulf %max3A_329, %sub3A_334 : vector<512x512xf32>
    %max3A_336 = arith.constant 9.99999968E-21 : f32
    %max3A_337 = vector.broadcast %max3A_336 : f32 to vector<512x512xf32>
    %max3A_338 = arith.maximumf %mul3A_335, %max3A_337 : vector<512x512xf32>
    %sub3A_339 = arith.subf %get3A_315, %get3A_309 : vector<1x512xf32>
    %sub3A_340 = arith.subf %get3A_318, %get3A_312 : vector<1x512xf32>
    %mul3A_341 = arith.mulf %sub3A_339, %sub3A_340 : vector<1x512xf32>
    %add3A_342 = vector.broadcast %mul3A_341 : vector<1x512xf32> to vector<512x512xf32>
    %add3A_343 = arith.addf %add3A_342, %broadcast_in_dim3A_42 : vector<512x512xf32>
    %div3A_344 = arith.divf %add3A_343, %max3A_338 : vector<512x512xf32>
    %ge3A_345 = vector.broadcast %get3A_321 : vector<1x512xf32> to vector<512x512xf32>
    %ge3A_346 = arith.cmpf oge, %ge3A_345, %select_n3A_306 : vector<512x512xf32>
    %jit3A_347 = arith.constant 3.000000e+38 : f32
    %broadcast_in_dim3A_348 = vector.broadcast %jit3A_347 : f32 to vector<512x512xf32>
    %select_n3A_349 = arith.select %ge3A_346, %div3A_344, %broadcast_in_dim3A_348 : vector<512x512xi1>, vector<512x512xf32>
    %min3A_350 = arith.minimumf %min3A_248, %select_n3A_349 : vector<512x512xf32>
    %add3A_351 = arith.constant 3072 : i32
    %add3A_352 = vector.broadcast %add3A_351 : i32 to vector<1x512xi32>
    %add3A_353 = arith.addi %add3A_352, %iota3A : vector<1x512xi32>
    %lt3A_354 = vector.broadcast %add3A_353 : vector<1x512xi32> to vector<512x512xi32>
    %lt3A_355 = vector.broadcast %add3A_47 : vector<512x1xi32> to vector<512x512xi32>
    %lt3A_356 = arith.cmpi slt, %lt3A_354, %lt3A_355 : vector<512x512xi32>
    %select_n3A_357 = arith.select %lt3A_356, %broadcast_in_dim3A_25, %broadcast_in_dim3A_27 : vector<512x512xi1>, vector<512x512xf32>
    %get3A_358 = arith.constant 0 : index
    %get3A_359 = arith.constant 3072 : index
    %get3A_360 = vector.load %arg1[%get3A_358, %get3A_359] : memref<8x5120xf32, #tpu.memory_space<vmem>>, vector<1x512xf32>
    %get3A_361 = arith.constant 1 : index
    %get3A_362 = arith.constant 3072 : index
    %get3A_363 = vector.load %arg1[%get3A_361, %get3A_362] : memref<8x5120xf32, #tpu.memory_space<vmem>>, vector<1x512xf32>
    %get3A_364 = arith.constant 2 : index
    %get3A_365 = arith.constant 3072 : index
    %get3A_366 = vector.load %arg1[%get3A_364, %get3A_365] : memref<8x5120xf32, #tpu.memory_space<vmem>>, vector<1x512xf32>
    %get3A_367 = arith.constant 3 : index
    %get3A_368 = arith.constant 3072 : index
    %get3A_369 = vector.load %arg1[%get3A_367, %get3A_368] : memref<8x5120xf32, #tpu.memory_space<vmem>>, vector<1x512xf32>
    %get3A_370 = arith.constant 4 : index
    %get3A_371 = arith.constant 3072 : index
    %get3A_372 = vector.load %arg1[%get3A_370, %get3A_371] : memref<8x5120xf32, #tpu.memory_space<vmem>>, vector<1x512xf32>
    %min3A_373 = vector.broadcast %get3A_366 : vector<1x512xf32> to vector<512x512xf32>
    %min3A_374 = arith.minimumf %min3A_373, %broadcast_in_dim3A_12 : vector<512x512xf32>
    %max3A_375 = vector.broadcast %get3A_360 : vector<1x512xf32> to vector<512x512xf32>
    %max3A_376 = arith.maximumf %max3A_375, %broadcast_in_dim3A_2 : vector<512x512xf32>
    %sub3A_377 = arith.subf %min3A_374, %max3A_376 : vector<512x512xf32>
    %max3A_378 = arith.constant 0.000000e+00 : f32
    %max3A_379 = vector.broadcast %max3A_378 : f32 to vector<512x512xf32>
    %max3A_380 = arith.maximumf %sub3A_377, %max3A_379 : vector<512x512xf32>
    %min3A_381 = vector.broadcast %get3A_369 : vector<1x512xf32> to vector<512x512xf32>
    %min3A_382 = arith.minimumf %min3A_381, %broadcast_in_dim3A_17 : vector<512x512xf32>
    %max3A_383 = vector.broadcast %get3A_363 : vector<1x512xf32> to vector<512x512xf32>
    %max3A_384 = arith.maximumf %max3A_383, %broadcast_in_dim3A_7 : vector<512x512xf32>
    %sub3A_385 = arith.subf %min3A_382, %max3A_384 : vector<512x512xf32>
    %mul3A_386 = arith.mulf %max3A_380, %sub3A_385 : vector<512x512xf32>
    %max3A_387 = arith.constant 9.99999968E-21 : f32
    %max3A_388 = vector.broadcast %max3A_387 : f32 to vector<512x512xf32>
    %max3A_389 = arith.maximumf %mul3A_386, %max3A_388 : vector<512x512xf32>
    %sub3A_390 = arith.subf %get3A_366, %get3A_360 : vector<1x512xf32>
    %sub3A_391 = arith.subf %get3A_369, %get3A_363 : vector<1x512xf32>
    %mul3A_392 = arith.mulf %sub3A_390, %sub3A_391 : vector<1x512xf32>
    %add3A_393 = vector.broadcast %mul3A_392 : vector<1x512xf32> to vector<512x512xf32>
    %add3A_394 = arith.addf %add3A_393, %broadcast_in_dim3A_42 : vector<512x512xf32>
    %div3A_395 = arith.divf %add3A_394, %max3A_389 : vector<512x512xf32>
    %ge3A_396 = vector.broadcast %get3A_372 : vector<1x512xf32> to vector<512x512xf32>
    %ge3A_397 = arith.cmpf oge, %ge3A_396, %select_n3A_357 : vector<512x512xf32>
    %jit3A_398 = arith.constant 3.000000e+38 : f32
    %broadcast_in_dim3A_399 = vector.broadcast %jit3A_398 : f32 to vector<512x512xf32>
    %select_n3A_400 = arith.select %ge3A_397, %div3A_395, %broadcast_in_dim3A_399 : vector<512x512xi1>, vector<512x512xf32>
    %min3A_401 = arith.minimumf %min3A_299, %select_n3A_400 : vector<512x512xf32>
    %add3A_402 = arith.constant 3584 : i32
    %add3A_403 = vector.broadcast %add3A_402 : i32 to vector<1x512xi32>
    %add3A_404 = arith.addi %add3A_403, %iota3A : vector<1x512xi32>
    %lt3A_405 = vector.broadcast %add3A_404 : vector<1x512xi32> to vector<512x512xi32>
    %lt3A_406 = vector.broadcast %add3A_47 : vector<512x1xi32> to vector<512x512xi32>
    %lt3A_407 = arith.cmpi slt, %lt3A_405, %lt3A_406 : vector<512x512xi32>
    %select_n3A_408 = arith.select %lt3A_407, %broadcast_in_dim3A_25, %broadcast_in_dim3A_27 : vector<512x512xi1>, vector<512x512xf32>
    %get3A_409 = arith.constant 0 : index
    %get3A_410 = arith.constant 3584 : index
    %get3A_411 = vector.load %arg1[%get3A_409, %get3A_410] : memref<8x5120xf32, #tpu.memory_space<vmem>>, vector<1x512xf32>
    %get3A_412 = arith.constant 1 : index
    %get3A_413 = arith.constant 3584 : index
    %get3A_414 = vector.load %arg1[%get3A_412, %get3A_413] : memref<8x5120xf32, #tpu.memory_space<vmem>>, vector<1x512xf32>
    %get3A_415 = arith.constant 2 : index
    %get3A_416 = arith.constant 3584 : index
    %get3A_417 = vector.load %arg1[%get3A_415, %get3A_416] : memref<8x5120xf32, #tpu.memory_space<vmem>>, vector<1x512xf32>
    %get3A_418 = arith.constant 3 : index
    %get3A_419 = arith.constant 3584 : index
    %get3A_420 = vector.load %arg1[%get3A_418, %get3A_419] : memref<8x5120xf32, #tpu.memory_space<vmem>>, vector<1x512xf32>
    %get3A_421 = arith.constant 4 : index
    %get3A_422 = arith.constant 3584 : index
    %get3A_423 = vector.load %arg1[%get3A_421, %get3A_422] : memref<8x5120xf32, #tpu.memory_space<vmem>>, vector<1x512xf32>
    %min3A_424 = vector.broadcast %get3A_417 : vector<1x512xf32> to vector<512x512xf32>
    %min3A_425 = arith.minimumf %min3A_424, %broadcast_in_dim3A_12 : vector<512x512xf32>
    %max3A_426 = vector.broadcast %get3A_411 : vector<1x512xf32> to vector<512x512xf32>
    %max3A_427 = arith.maximumf %max3A_426, %broadcast_in_dim3A_2 : vector<512x512xf32>
    %sub3A_428 = arith.subf %min3A_425, %max3A_427 : vector<512x512xf32>
    %max3A_429 = arith.constant 0.000000e+00 : f32
    %max3A_430 = vector.broadcast %max3A_429 : f32 to vector<512x512xf32>
    %max3A_431 = arith.maximumf %sub3A_428, %max3A_430 : vector<512x512xf32>
    %min3A_432 = vector.broadcast %get3A_420 : vector<1x512xf32> to vector<512x512xf32>
    %min3A_433 = arith.minimumf %min3A_432, %broadcast_in_dim3A_17 : vector<512x512xf32>
    %max3A_434 = vector.broadcast %get3A_414 : vector<1x512xf32> to vector<512x512xf32>
    %max3A_435 = arith.maximumf %max3A_434, %broadcast_in_dim3A_7 : vector<512x512xf32>
    %sub3A_436 = arith.subf %min3A_433, %max3A_435 : vector<512x512xf32>
    %mul3A_437 = arith.mulf %max3A_431, %sub3A_436 : vector<512x512xf32>
    %max3A_438 = arith.constant 9.99999968E-21 : f32
    %max3A_439 = vector.broadcast %max3A_438 : f32 to vector<512x512xf32>
    %max3A_440 = arith.maximumf %mul3A_437, %max3A_439 : vector<512x512xf32>
    %sub3A_441 = arith.subf %get3A_417, %get3A_411 : vector<1x512xf32>
    %sub3A_442 = arith.subf %get3A_420, %get3A_414 : vector<1x512xf32>
    %mul3A_443 = arith.mulf %sub3A_441, %sub3A_442 : vector<1x512xf32>
    %add3A_444 = vector.broadcast %mul3A_443 : vector<1x512xf32> to vector<512x512xf32>
    %add3A_445 = arith.addf %add3A_444, %broadcast_in_dim3A_42 : vector<512x512xf32>
    %div3A_446 = arith.divf %add3A_445, %max3A_440 : vector<512x512xf32>
    %ge3A_447 = vector.broadcast %get3A_423 : vector<1x512xf32> to vector<512x512xf32>
    %ge3A_448 = arith.cmpf oge, %ge3A_447, %select_n3A_408 : vector<512x512xf32>
    %jit3A_449 = arith.constant 3.000000e+38 : f32
    %broadcast_in_dim3A_450 = vector.broadcast %jit3A_449 : f32 to vector<512x512xf32>
    %select_n3A_451 = arith.select %ge3A_448, %div3A_446, %broadcast_in_dim3A_450 : vector<512x512xi1>, vector<512x512xf32>
    %min3A_452 = arith.minimumf %min3A_350, %select_n3A_451 : vector<512x512xf32>
    %add3A_453 = arith.constant 4096 : i32
    %add3A_454 = vector.broadcast %add3A_453 : i32 to vector<1x512xi32>
    %add3A_455 = arith.addi %add3A_454, %iota3A : vector<1x512xi32>
    %lt3A_456 = vector.broadcast %add3A_455 : vector<1x512xi32> to vector<512x512xi32>
    %lt3A_457 = vector.broadcast %add3A_47 : vector<512x1xi32> to vector<512x512xi32>
    %lt3A_458 = arith.cmpi slt, %lt3A_456, %lt3A_457 : vector<512x512xi32>
    %select_n3A_459 = arith.select %lt3A_458, %broadcast_in_dim3A_25, %broadcast_in_dim3A_27 : vector<512x512xi1>, vector<512x512xf32>
    %get3A_460 = arith.constant 0 : index
    %get3A_461 = arith.constant 4096 : index
    %get3A_462 = vector.load %arg1[%get3A_460, %get3A_461] : memref<8x5120xf32, #tpu.memory_space<vmem>>, vector<1x512xf32>
    %get3A_463 = arith.constant 1 : index
    %get3A_464 = arith.constant 4096 : index
    %get3A_465 = vector.load %arg1[%get3A_463, %get3A_464] : memref<8x5120xf32, #tpu.memory_space<vmem>>, vector<1x512xf32>
    %get3A_466 = arith.constant 2 : index
    %get3A_467 = arith.constant 4096 : index
    %get3A_468 = vector.load %arg1[%get3A_466, %get3A_467] : memref<8x5120xf32, #tpu.memory_space<vmem>>, vector<1x512xf32>
    %get3A_469 = arith.constant 3 : index
    %get3A_470 = arith.constant 4096 : index
    %get3A_471 = vector.load %arg1[%get3A_469, %get3A_470] : memref<8x5120xf32, #tpu.memory_space<vmem>>, vector<1x512xf32>
    %get3A_472 = arith.constant 4 : index
    %get3A_473 = arith.constant 4096 : index
    %get3A_474 = vector.load %arg1[%get3A_472, %get3A_473] : memref<8x5120xf32, #tpu.memory_space<vmem>>, vector<1x512xf32>
    %min3A_475 = vector.broadcast %get3A_468 : vector<1x512xf32> to vector<512x512xf32>
    %min3A_476 = arith.minimumf %min3A_475, %broadcast_in_dim3A_12 : vector<512x512xf32>
    %max3A_477 = vector.broadcast %get3A_462 : vector<1x512xf32> to vector<512x512xf32>
    %max3A_478 = arith.maximumf %max3A_477, %broadcast_in_dim3A_2 : vector<512x512xf32>
    %sub3A_479 = arith.subf %min3A_476, %max3A_478 : vector<512x512xf32>
    %max3A_480 = arith.constant 0.000000e+00 : f32
    %max3A_481 = vector.broadcast %max3A_480 : f32 to vector<512x512xf32>
    %max3A_482 = arith.maximumf %sub3A_479, %max3A_481 : vector<512x512xf32>
    %min3A_483 = vector.broadcast %get3A_471 : vector<1x512xf32> to vector<512x512xf32>
    %min3A_484 = arith.minimumf %min3A_483, %broadcast_in_dim3A_17 : vector<512x512xf32>
    %max3A_485 = vector.broadcast %get3A_465 : vector<1x512xf32> to vector<512x512xf32>
    %max3A_486 = arith.maximumf %max3A_485, %broadcast_in_dim3A_7 : vector<512x512xf32>
    %sub3A_487 = arith.subf %min3A_484, %max3A_486 : vector<512x512xf32>
    %mul3A_488 = arith.mulf %max3A_482, %sub3A_487 : vector<512x512xf32>
    %max3A_489 = arith.constant 9.99999968E-21 : f32
    %max3A_490 = vector.broadcast %max3A_489 : f32 to vector<512x512xf32>
    %max3A_491 = arith.maximumf %mul3A_488, %max3A_490 : vector<512x512xf32>
    %sub3A_492 = arith.subf %get3A_468, %get3A_462 : vector<1x512xf32>
    %sub3A_493 = arith.subf %get3A_471, %get3A_465 : vector<1x512xf32>
    %mul3A_494 = arith.mulf %sub3A_492, %sub3A_493 : vector<1x512xf32>
    %add3A_495 = vector.broadcast %mul3A_494 : vector<1x512xf32> to vector<512x512xf32>
    %add3A_496 = arith.addf %add3A_495, %broadcast_in_dim3A_42 : vector<512x512xf32>
    %div3A_497 = arith.divf %add3A_496, %max3A_491 : vector<512x512xf32>
    %ge3A_498 = vector.broadcast %get3A_474 : vector<1x512xf32> to vector<512x512xf32>
    %ge3A_499 = arith.cmpf oge, %ge3A_498, %select_n3A_459 : vector<512x512xf32>
    %jit3A_500 = arith.constant 3.000000e+38 : f32
    %broadcast_in_dim3A_501 = vector.broadcast %jit3A_500 : f32 to vector<512x512xf32>
    %select_n3A_502 = arith.select %ge3A_499, %div3A_497, %broadcast_in_dim3A_501 : vector<512x512xi1>, vector<512x512xf32>
    %min3A_503 = arith.minimumf %min3A_401, %select_n3A_502 : vector<512x512xf32>
    %add3A_504 = arith.constant 4608 : i32
    %add3A_505 = vector.broadcast %add3A_504 : i32 to vector<1x512xi32>
    %add3A_506 = arith.addi %add3A_505, %iota3A : vector<1x512xi32>
    %lt3A_507 = vector.broadcast %add3A_506 : vector<1x512xi32> to vector<512x512xi32>
    %lt3A_508 = vector.broadcast %add3A_47 : vector<512x1xi32> to vector<512x512xi32>
    %lt3A_509 = arith.cmpi slt, %lt3A_507, %lt3A_508 : vector<512x512xi32>
    %select_n3A_510 = arith.select %lt3A_509, %broadcast_in_dim3A_25, %broadcast_in_dim3A_27 : vector<512x512xi1>, vector<512x512xf32>
    %get3A_511 = arith.constant 0 : index
    %get3A_512 = arith.constant 4608 : index
    %get3A_513 = vector.load %arg1[%get3A_511, %get3A_512] : memref<8x5120xf32, #tpu.memory_space<vmem>>, vector<1x512xf32>
    %get3A_514 = arith.constant 1 : index
    %get3A_515 = arith.constant 4608 : index
    %get3A_516 = vector.load %arg1[%get3A_514, %get3A_515] : memref<8x5120xf32, #tpu.memory_space<vmem>>, vector<1x512xf32>
    %get3A_517 = arith.constant 2 : index
    %get3A_518 = arith.constant 4608 : index
    %get3A_519 = vector.load %arg1[%get3A_517, %get3A_518] : memref<8x5120xf32, #tpu.memory_space<vmem>>, vector<1x512xf32>
    %get3A_520 = arith.constant 3 : index
    %get3A_521 = arith.constant 4608 : index
    %get3A_522 = vector.load %arg1[%get3A_520, %get3A_521] : memref<8x5120xf32, #tpu.memory_space<vmem>>, vector<1x512xf32>
    %get3A_523 = arith.constant 4 : index
    %get3A_524 = arith.constant 4608 : index
    %get3A_525 = vector.load %arg1[%get3A_523, %get3A_524] : memref<8x5120xf32, #tpu.memory_space<vmem>>, vector<1x512xf32>
    %min3A_526 = vector.broadcast %get3A_519 : vector<1x512xf32> to vector<512x512xf32>
    %min3A_527 = arith.minimumf %min3A_526, %broadcast_in_dim3A_12 : vector<512x512xf32>
    %max3A_528 = vector.broadcast %get3A_513 : vector<1x512xf32> to vector<512x512xf32>
    %max3A_529 = arith.maximumf %max3A_528, %broadcast_in_dim3A_2 : vector<512x512xf32>
    %sub3A_530 = arith.subf %min3A_527, %max3A_529 : vector<512x512xf32>
    %max3A_531 = arith.constant 0.000000e+00 : f32
    %max3A_532 = vector.broadcast %max3A_531 : f32 to vector<512x512xf32>
    %max3A_533 = arith.maximumf %sub3A_530, %max3A_532 : vector<512x512xf32>
    %min3A_534 = vector.broadcast %get3A_522 : vector<1x512xf32> to vector<512x512xf32>
    %min3A_535 = arith.minimumf %min3A_534, %broadcast_in_dim3A_17 : vector<512x512xf32>
    %max3A_536 = vector.broadcast %get3A_516 : vector<1x512xf32> to vector<512x512xf32>
    %max3A_537 = arith.maximumf %max3A_536, %broadcast_in_dim3A_7 : vector<512x512xf32>
    %sub3A_538 = arith.subf %min3A_535, %max3A_537 : vector<512x512xf32>
    %mul3A_539 = arith.mulf %max3A_533, %sub3A_538 : vector<512x512xf32>
    %max3A_540 = arith.constant 9.99999968E-21 : f32
    %max3A_541 = vector.broadcast %max3A_540 : f32 to vector<512x512xf32>
    %max3A_542 = arith.maximumf %mul3A_539, %max3A_541 : vector<512x512xf32>
    %sub3A_543 = arith.subf %get3A_519, %get3A_513 : vector<1x512xf32>
    %sub3A_544 = arith.subf %get3A_522, %get3A_516 : vector<1x512xf32>
    %mul3A_545 = arith.mulf %sub3A_543, %sub3A_544 : vector<1x512xf32>
    %add3A_546 = vector.broadcast %mul3A_545 : vector<1x512xf32> to vector<512x512xf32>
    %add3A_547 = arith.addf %add3A_546, %broadcast_in_dim3A_42 : vector<512x512xf32>
    %div3A_548 = arith.divf %add3A_547, %max3A_542 : vector<512x512xf32>
    %ge3A_549 = vector.broadcast %get3A_525 : vector<1x512xf32> to vector<512x512xf32>
    %ge3A_550 = arith.cmpf oge, %ge3A_549, %select_n3A_510 : vector<512x512xf32>
    %jit3A_551 = arith.constant 3.000000e+38 : f32
    %broadcast_in_dim3A_552 = vector.broadcast %jit3A_551 : f32 to vector<512x512xf32>
    %select_n3A_553 = arith.select %ge3A_550, %div3A_548, %broadcast_in_dim3A_552 : vector<512x512xi1>, vector<512x512xf32>
    %min3A_554 = arith.minimumf %min3A_452, %select_n3A_553 : vector<512x512xf32>
    %min3A_555 = arith.minimumf %min3A_503, %min3A_554 : vector<512x512xf32>
    %reduce_min3A = arith.constant dense<0x7F800000> : vector<512xf32>
    %reduce_min3A_556 = vector.multi_reduction <minimumf>, %min3A_555, %reduce_min3A [1] : vector<512x512xf32> to vector<512xf32>
    %broadcast_in_dim3A_557 = vector.shape_cast %reduce_min3A_556 : vector<512xf32> to vector<512x1xf32>
    %sub3A_558 = arith.constant 1.000000e+00 : f32
    %sub3A_559 = vector.broadcast %sub3A_558 : f32 to vector<512x1xf32>
    %sub3A_560 = arith.subf %broadcast_in_dim3A_557, %sub3A_559 : vector<512x1xf32>
    %div3A_561 = arith.constant 1.000000e+00 : f32
    %div3A_562 = vector.broadcast %div3A_561 : f32 to vector<512x1xf32>
    %div3A_563 = arith.divf %div3A_562, %sub3A_560 : vector<512x1xf32>
    %mul3A_564 = arith.mulf %div3A_563, %div3A_563 : vector<512x1xf32>
    %mul3A_565 = arith.constant -2.000000e+00 : f32
    %mul3A_566 = vector.broadcast %mul3A_565 : f32 to vector<512x1xf32>
    %mul3A_567 = arith.mulf %mul3A_564, %mul3A_566 : vector<512x1xf32>
    %exp3A = math.exp %mul3A_567 : vector<512x1xf32>
    %mul3A_568 = arith.mulf %get3A_20, %exp3A : vector<512x1xf32>
    %swap3A = arith.constant 0 : index
    %swap3A_569 = arith.constant 0 : index
    %swap3A_570 = vector.load %arg3[%swap3A, %swap3A_569] : memref<512x1xf32, #tpu.memory_space<vmem>>, vector<512x1xf32>
    tpu.vector_store %arg3[%swap3A, %swap3A_569], %mul3A_568 {strides = array<i32>} : memref<512x1xf32, #tpu.memory_space<vmem>>, vector<512x1xf32>,
    return
  }
  func.func @transform_0(%arg0: i32) -> (i32, i32) {
    %c0_i32 = arith.constant 0 : i32
    %c0_i32_0 = arith.constant 0 : i32
    %c0_i32_1 = arith.constant 0 : i32
    return %c0_i32, %c0_i32_0 : i32, i32
  }
  func.func @transform_1(%arg0: i32) -> (i32, i32) {
    %c0_i32 = arith.constant 0 : i32
    %c0_i32_0 = arith.constant 0 : i32
    return %arg0, %c0_i32 : i32, i32
  }
  func.func @transform_2(%arg0: i32) -> (i32, i32) {
    %c0_i32 = arith.constant 0 : i32
    %c0_i32_0 = arith.constant 0 : i32
    return %arg0, %c0_i32 : i32, i32
  }
}

</mosaic_0001>

<sc_bundles>
// kernel: kernel.4.cloned.1.call-start
scs
__scs_entry_jumppad:
0x0: {  	(pc) =	sbr.rel $0x88, $3  }
0x1: {  	(tag) =	ssettag $0x0;
	lr =	simm.s32 $0x1  }
0x2: {  	[smem:$0x3F9F] =	sst lr;
	_ =	strace $0xD0000000  }
0x3: {  	_ = 	snop  }
0x4: {  	_ = 	snop  }
0x5: {  	_ = 	snop  }
0x6: {  	_ = 	snop  }
0x7: {  	_ = 	snop  }
__scs_overlays_trampoline_lowered:
0x8: {  	[smem:$0x3FAE] =	sst s0  }
0x9: {  	[smem:$0x3FAF] =	sst s1  }
0xa: {  	[smem:$0x3FB0] =	sst s2  }
0xb: {  	[smem:$0x3FB1] =	sst s3  }
0xc: {  	[smem:$0x3FB2] =	sst s4  }
0xd: {  	[smem:$0x3FB3] =	sst s5  }
0xe: {  	[smem:$0x3FB4] =	sst s6  }
0xf: {  	[smem:$0x3FB5] =	sst s7  }
0x10: {  	[smem:$0x3FB6] =	sst s8  }
0x11: {  	[smem:$0x3FB7] =	sst s9;
	s0 =	simm.s32 @!p0 $0x0  }
0x12: {  	s1 =	sld [smem:$0x3F9D];
	s0 =	simm.s32 @p0 $0x1  }
0x13: {  	[smem:$0x3FB8] =	sst s0;
	s0 =	simm.s32 @!p1 $0x0  }
0x14: {  	s2 =	sld [smem:$0x3F9C];
	s0 =	simm.s32 @p1 $0x1  }
0x15: {  	[smem:$0x3FB9] =	sst s0;
	s0 =	simm.s32 @!p2 $0x0  }
0x16: {  	s3 =	sld [smem:$0x3FDB];
	s0 =	simm.s32 @p2 $0x1  }
0x17: {  	s4 =	simm.s32 $0x1BF5;
	[smem:$0x3FBB] =	sst s0  }
0x18: {  	s0 =	sld [smem:$0x3F9E];
	_ =	swait.ge [sflag:s4], $0x0  }
0x19: {  	s7 =	sld [smem:$0x3F9F]  }
0x1a: {  	s8 =	sadd.s32 $0xFFFFE003, lr  }
0x1b: {  	s9 =	sadd.s32 $0xFFFFFEF7, lr;
	s5 =	simm.s32 $0xFFFFFFFF;
	p2 =	slt.u32 s8, $0xFFFFF086  }
0x1c: {  	p1 =	slt.u32 s9, $0xF7A;
	s5 =	simm.s32 @!p2 $0x0  }
0x1d: {  	s5 =	simm.s32 @p1 $0x1;
	p0 =	seq.s32 s7, s2  }
0x1e: {  	s7 =	smul.u32 @!p0 $0xF7A, s2;
	p2 =	seq.s32 @!p0 s5, $0x0  }
0x1f: {  	s9 =	smul.u32 $0xF7A, s1;
	s8 =	simm.s32 @!p0 $0x1BF5;
	p2 =	por !p2, p0  }
0x20: {  	[sflag:s8] =	ssyncset.s32 @!p0 $0xFFFFF086;
	s6 =	sadd.s32 @!p0 s3, s7;
	s7 =	simm.s32 @!p0 $0x108  }
0x21: {  	s3 =	sadd.s32 s3, s9;
	s6 =	sadd.s32 @!p0 $0x88, s6;
	s7 =	simm.s32 @p2 $0x1082  }
0x22: {  	[simem:s7], [sflag:s8] =	dma.local @!p0 [hbm:s6], $0xF7A  }
0x23: {  	s9 =	sor.u32 $0xD0000000, s2;
	s6 =	simm.s32 $0x108;
	_ =	swait.ge @!p0 [sflag:s8], $0x0  }
0x24: {  	s3 =	sadd.s32 $0x88, s3;
	s6 =	simm.s32 @!p1 $0x1082;
	[sflag:s4] =	ssyncset.s32 $0xFFFFF086  }
0x25: {  	[simem:s6], [sflag:s4] =	dma.local [hbm:s3], $0xF7A  }
0x26: {  	[smem:$0x3F9F] =	sst s1;
	(tag) =	ssettag s2;
	_ =	strace s9  }
0x27: {  	s1 =	sld [smem:$0x3FAF]  }
0x28: {  	s2 =	sld [smem:$0x3FB0]  }
0x29: {  	s4 =	sld [smem:$0x3FB2]  }
0x2a: {  	p0 =	seq.s32 s5, $0x0;
	s5 =	sld [smem:$0x3FB3]  }
0x2b: {  	s6 =	sld [smem:$0x3FB4]  }
0x2c: {  	s7 =	sld [smem:$0x3FB5]  }
0x2d: {  	s3 =	simm.s32 $0x108;
	s8 =	sld [smem:$0x3FB6]  }
0x2e: {  	s3 =	simm.s32 @!p0 $0x1082;
	s9 =	sld [smem:$0x3FB7]  }
0x2f: {  	lr =	sadd.s32 s0, s3;
	s0 =	sld [smem:$0x3FAE]  }
0x30: {  	s3 =	sld [smem:$0x3FB1]  }
0x31: {  	[smem:$0x3FBA] =	sst s10  }
0x32: {  	s10 =	sld [smem:$0x3FB8];
	_ =	sdelay $0x3  }
0x33: {  	p0 =	seq.s32 s10, $0x1;
	s10 =	sld [smem:$0x3FBA];
	_ =	sdelay $0x3  }
0x34: {  	[smem:$0x3FBA] =	sst s10  }
0x35: {  	s10 =	sld [smem:$0x3FB9];
	_ =	sdelay $0x3  }
0x36: {  	p1 =	seq.s32 s10, $0x1;
	s10 =	sld [smem:$0x3FBA];
	_ =	sdelay $0x3  }
0x37: {  	[smem:$0x3FBA] =	sst s10  }
0x38: {  	s10 =	sld [smem:$0x3FBB]  }
0x39: {  	_ = 	snop;
	(pc) =	sbr.ind lr, $3  }
0x3a: {  	_ = 	snop  }
0x3b: {  	_ = 	snop  }
0x3c: {  	p2 =	seq.s32 s10, $0x1;
	s10 =	sld [smem:$0x3FBA]  }
0x3d: {  	_ =	shalt  }
0x3e: {  	_ =	shalt  }
0x3f: {  	_ =	shalt  }
0x40: {  	_ =	shalt  }
0x41: {  	_ =	shalt  }
0x42: {  	_ =	shalt  }
0x43: {  	_ =	shalt  }
0x44: {  	_ =	shalt  }
0x45: {  	_ =	shalt  }
0x46: {  	_ =	shalt  }
0x47: {  	_ =	shalt  }
0x48: {  	_ =	shalt  }
0x49: {  	_ =	shalt  }
0x4a: {  	_ =	shalt  }
0x4b: {  	_ =	shalt  }
0x4c: {  	_ =	shalt  }
0x4d: {  	_ =	shalt  }
0x4e: {  	_ =	shalt  }
0x4f: {  	_ =	shalt  }
0x50: {  	_ =	shalt  }
0x51: {  	_ =	shalt  }
0x52: {  	_ =	shalt  }
0x53: {  	_ =	shalt  }
0x54: {  	_ =	shalt  }
0x55: {  	_ =	shalt  }
0x56: {  	_ =	shalt  }
0x57: {  	_ =	shalt  }
0x58: {  	_ =	shalt  }
0x59: {  	_ =	shalt  }
0x5a: {  	_ =	shalt  }
0x5b: {  	_ =	shalt  }
0x5c: {  	_ =	shalt  }
0x5d: {  	_ =	shalt  }
0x5e: {  	_ =	shalt  }
0x5f: {  	_ =	shalt  }
0x60: {  	_ =	shalt  }
0x61: {  	_ =	shalt  }
0x62: {  	_ =	shalt  }
0x63: {  	_ =	shalt  }
0x64: {  	_ =	shalt  }
0x65: {  	_ =	shalt  }
0x66: {  	_ =	shalt  }
0x67: {  	_ =	shalt  }
0x68: {  	_ =	shalt  }
0x69: {  	_ =	shalt  }
0x6a: {  	_ =	shalt  }
0x6b: {  	_ =	shalt  }
0x6c: {  	_ =	shalt  }
0x6d: {  	_ =	shalt  }
0x6e: {  	_ =	shalt  }
0x6f: {  	_ =	shalt  }
0x70: {  	_ =	shalt  }
0x71: {  	_ =	shalt  }
0x72: {  	_ =	shalt  }
0x73: {  	_ =	shalt  }
0x74: {  	_ =	shalt  }
0x75: {  	_ =	shalt  }
0x76: {  	_ =	shalt  }
0x77: {  	_ =	shalt  }
0x78: {  	_ =	shalt  }
0x79: {  	_ =	shalt  }
0x7a: {  	_ =	shalt  }
0x7b: {  	_ =	shalt  }
0x7c: {  	_ =	shalt  }
0x7d: {  	_ =	shalt  }
0x7e: {  	_ =	shalt  }
0x7f: {  	_ =	shalt  }
0x80: {  	_ =	shalt  }
0x81: {  	_ =	shalt  }
0x82: {  	_ =	shalt  }
0x83: {  	_ =	shalt  }
0x84: {  	_ =	shalt  }
0x85: {  	_ =	shalt  }
0x86: {  	_ =	shalt  }
0x87: {  	_ =	shalt  }
.Lfunc_end0:
.L_simem_size_0:
called_computation_lowered:
.L_overlay_start_0:
0x88: {  	s2 =	sld [smem:$0x3FD9]  }
0x89: {  	s3 =	sld [smem:$0x3FFE];
	_ =	sdelay $0x1  }
0x8a: {  	s1 =	srdreg.scid  }
0x8b: {  	s0 =	sand.u32 $0x1, s1  }
0x8c: {  	s16 =	sshll.u32 s0, $0xA;
	s2 =	sadd.s32 s3, s2  }
0x8d: {  	s2 =	sadd.s32 s2, s16  }
0x8e: {  	[smem:$0x3FC6] =	sst s2  }
0x8f: {  	_ = 	snop  }
0x90: {  	(tm) =	ssettm $0x1  }
0x91: {  	s17 =	sld [smem:$0x3FFB];
	_ =	sdelay $0x3  }
0x92: {  	_ =	strace s17  }
0x93: {  	s2 =	sld [smem:$0x3FFC];
	_ =	sdelay $0x3  }
0x94: {  	_ =	strace s2  }
0x95: {  	s2 =	sld [smem:$0x3FFD];
	_ =	sdelay $0x3  }
0x96: {  	_ =	strace s2  }
0x97: {  	_ =	strace $0x8FFFFFFF  }
0x98: {  	s18 =	sld [smem:$0x3FDB];
	_ =	sdelay $0x1  }
0x99: {  	s19 =	simm.s32 $_scs_section_size  }
0x9a: {  	s4 =	simm.s32 $_size__tile_overlayer_lowered;
	s5 =	simm.s32 $_tile_overlayer_lowered  }
0x9b: {  	s22 =	simm.s32 $0x1BFF;
	s21 =	sshll.u32 s5, $0x1;
	s2 =	sadd.s32 s19, s18  }
0x9c: {  	s6 =	simm.s32 $0x0;
	s20 =	sshll.u32 s4, $0x1;
	s4 =	sadd.s32 s21, s2  }
0x9d: {  	[timem:s6], [sflag:s22] =	dma.local [hbm:s4], s20  }
0x9e: {  	_ =	swait.ge [sflag:s22], s20  }
0x9f: {  	s3 =	ssub.s32 $0x0, s20;
	[sflag:s22] =	ssyncset.done $0x0  }
0xa0: {  	[sflag:s22] =	ssyncadd.s32 s3;
	_ =	sdelay $0x1  }
0xa1: {  	s23 =	simm.s32 $0x1B8B  }
0xa2: {  	_ =	swait.ge [sflag:s23], $0x1  }
0xa3: {  	[sflag:s23] =	ssyncset.done $0x0  }
0xa4: {  	s25 =	simm.s32 $0x1B8E;
	s24 =	sld [smem:$0x3FFE];
	[sflag:s23] =	ssyncadd.s32 $0xFFFFFFFF  }
0xa5: {  	s26 =	simm.s32 $execute0_lowered;
	[smem:$0x3FD2] =	sst s25  }
0xa6: {  	s4 =	sshll.u32 s26, $0x1;
	_ =	strace $0x80000046;
	[dreg:$0x1] =	wrdreg $0xFFFFFFFF  }
0xa7: {  	s28 =	simm.s32 $_size_execute0_lowered;
	s2 =	sadd.s32 s2, s4;
	[dreg:$0x0] =	wrdreg $0x0  }
0xa8: {  	s4 =	sshll.u32 s28, $0x1;
	[dreg:$0x2] =	wrdreg s2  }
0xa9: {  	[dreg:$0x3] =	wrdreg s4  }
0xaa: {  	[dreg:$0x4] =	wrdreg $0xC0  }
0xab: {  	_ =	task [dreg:s6], $0x5FFFF  }
0xac: {  	[dreg:$0x1] =	wrdreg $0xFFFFFFFF  }
0xad: {  	[dreg:$0x0] =	wrdreg $0x60  }
0xae: {  	[dreg:$0x2] =	wrdreg s24  }
0xaf: {  	[dreg:$0x3] =	wrdreg $0x9  }
0xb0: {  	_ =	task.clear_ibuf [dreg:s6], $0x4FFFF;
	_ =	strace $0x90000046  }
0xb1: {  	s29 =	simm.s32 $0x9;
	_ =	strace $0x80000048  }
0xb2: {  	_ =	swait.ge [sflag:s29], $0x1  }
0xb3: {  	[sflag:s29] =	ssyncadd.s32 $0xFFFFFFFF  }
0xb4: {  	_ =	strace $0x90000048  }
0xb5: {  	_ =	sfence  }
0xb6: {  	s30 =	sld [smem:$0x0];
	_ =	sdelay $0x2  }
0xb7: {  	s31 =	sshll.u32 s1, $0xD;
	s1 =	sshrl.u32 s1, $0x2  }
0xb8: {  	s3 =	sand.u32 $0x4000, s31;
	s1 =	sadd.s32 s1, s30  }
0xb9: {  	s0 =	sor.u32 s3, s0;
	s1 =	sshll.u32 s1, $0x11  }
0xba: {  	s0 =	sor.u32 s1, s0  }
0xbb: {  	s0 =	sadd.s32 $0x8F2B, s0  }
0xbc: {  	[sflag:s0] =	ssyncadd.remote.s32 $0x1  }
0xbd: {  	_ =	sfence.sel $0xFFFF  }
0xbe: {  	[dreg:$0x0] =	wrdreg $0xFFFFFFFF;
	(pc) =	sbr.abs _section_cstart, $3  }
0xbf: {  	[dreg:$0x1] =	wrdreg $0xFFFFFFFF  }
0xc0: {  	_ =	task.clear_ibuf [dreg:s6], $0x2FFFF;
	_ =	strace $0x9FFFFFFF  }
0xc1: {  	(tm) =	ssettm $0x7FFFFFFF  }
tec
execute0_lowered:
.L_overlay_start_1:
0x0: {  	(tag) =	ssettag $0x1  }
0x1: {  	s4 =	rddreg [dreg:$0x0]  }
0x2: {  	s0 =	rddreg [dreg:$0x1];
	s2 =	simm.s32 $0x0;
	s3 =	srdreg.scid  }
0x3: {  	s1 =	stileid.u32;
	s12 =	simm.s32 $0x1;
	s13 =	simm.s32 $0xA000  }
0x4: {  	s14 =	simm.s32 $0x0;
	[smem:$0x7FF] =	sst s2;
	s5 =	sand.u32 $0x1, s3  }
0x5: {  	s6 =	sshll.u32 s1, $0x5;
	s3 =	sadd.s32 $0x200, s4;
	s7 =	sshll.u32 s5, $0x4  }
0x6: {  	s30 =	sshll.u32 s1, $0x8;
	s5 =	ssub.s32 $0x2, s5;
	s6 =	sor.u32 s7, s6  }
0x7: {  	s31 =	sshrl.u32 s5, $0x1;
	s8 =	sshrl.u32 s6, $0x3;
	s6 =	sor.u32 s6, s30  }
0x8: {  	_ =	strace $0x80000047;
	s11 =	ssub.s32 s5, s31;
	s9 =	sand.u32 $0xC70, s6  }
0x9: {  	s10 =	sadd.s32 s8, s4;
	s11 =	smax.u32 s11, $0x1;
	s4 =	sor.u32 $0x9000, s9  }
0xa: {  	s5 =	sor.u32 $0x9080, s9;
	s6 =	sor.u32 $0x9100, s9;
	s7 =	sor.u32 $0x9180, s9  }
0xb: {  	s8 =	sor.u32 $0x9200, s9;
	s9 =	sor.u32 $0x9280, s9;
	s10 =	sadd.s32 $0x1600, s10  }
.LBB2_1:
0xc: {  	[tilespmem:s2], [sflag:$0x1] =	stream.linear.gather [hbm4b:s3+s2], $0xA000, $0x38;
	[tilespmem:$0xA080] =	vst v63  }
0xd: {  	_ =	swait.ge [sflag:s12], $0xA000  }
0xe: {  	s15 =	sand.u32 $0x70, s2;
	s16 =	sand.u32 $0xFC00, s2;
	[sflag:s12] =	ssyncset.done $0x0  }
0xf: {  	s15 =	sor.u32 s15, s16;
	[sflag:s12] =	ssyncadd.s32 $0xFFFF6000  }
0x10: {  	v1 =	vld [tilespmem:s15+$0x200]  }
0x11: {  	v3 =	vld [tilespmem:s15+$0x280];
	_ =	sdelay $0x3  }
0x12: {  	v0 =	vbroadcast v1, $0xF  }
0x13: {  	v4 =	vbroadcast v3, $0xF;
	v15 =	vbroadcast v1, $0xE  }
0x14: {  	v5 =	vbroadcast v3, $0xE;
	v16 =	vbroadcast v1, $0xD  }
0x15: {  	v6 =	vbroadcast v3, $0xD;
	v17 =	vbroadcast v1, $0xC  }
0x16: {  	v7 =	vbroadcast v3, $0xC;
	v18 =	vbroadcast v1, $0xB  }
0x17: {  	v11 =	vbroadcast v3, $0xB;
	v19 =	vbroadcast v1, $0xA  }
0x18: {  	v12 =	vbroadcast v3, $0xA;
	v20 =	vbroadcast v1, $0x9  }
0x19: {  	v13 =	vbroadcast v3, $0x9;
	v21 =	vbroadcast v1, $0x8  }
0x1a: {  	v22 =	vbroadcast v3, $0x8;
	v23 =	vbroadcast v1, $0x7  }
0x1b: {  	v24 =	vbroadcast v3, $0x7;
	v25 =	vbroadcast v1, $0x6  }
0x1c: {  	v63 =	vld [tilespmem:s8+$0x0];
	v26 =	vbroadcast v3, $0x6;
	v27 =	vbroadcast v1, $0x5  }
0x1d: {  	v2 =	vld [tilespmem:s9+$0x0];
	v28 =	vbroadcast v3, $0x5;
	v29 =	vbroadcast v1, $0x4  }
0x1e: {  	v56 =	vimm.s32 $0x0;
	v30 =	vbroadcast v3, $0x4;
	v31 =	vbroadcast v1, $0x3  }
0x1f: {  	v57 =	vimm.s32 $0x0;
	v32 =	vbroadcast v3, $0x3;
	v14 =	vbroadcast v1, $0x2  }
0x20: {  	v58 =	vimm.s32 $0x0;
	v33 =	vbroadcast v3, $0x2;
	v8 =	vbroadcast v1, $0x1  }
0x21: {  	v60 =	vimm.s32 $0x0;
	v34 =	vbroadcast v3, $0x1;
	v9 =	vbroadcast v1, $0x0  }
0x22: {  	v55 =	vbroadcast v3, $0x0;
	vm0 =	veq.f32 v0, v63;
	vm1 =	vlt.f32 v4, v2  }
0x23: {  	vm2 =	veq.f32 v15, v63;
	vm3 =	vlt.f32 v5, v2;
	vm4 =	veq.f32 v16, v63  }
0x24: {  	vm6 =	vlt.f32 v6, v2;
	vm7 =	veq.f32 v17, v63;
	vm8 =	vlt.f32 v7, v2  }
0x25: {  	vm9 =	veq.f32 v18, v63;
	vm10 =	vlt.f32 v11, v2;
	vm12 =	veq.f32 v19, v63  }
0x26: {  	vm13 =	vlt.f32 v12, v2;
	vm14 =	veq.f32 v20, v63;
	vm5 =	veq.f32 v21, v63;
	v12 =	vld [tilespmem:s15+$0x80]  }
0x27: {  	[tilespmem:$0x1FFC0] =	vst v0;
	vm15 =	vlt.f32 v13, v2;
	vm11 =	veq.f32 v23, v63;
	v7 =	vld [tilespmem:s15+$0x100];
	v0 =	vsel vm5, $0xFFFFFFFF, v56  }
0x28: {  	v11 =	vld [tilespmem:s15+$0x0];
	vm5 =	vlt.f32 v22, v2;
	vm0 =	vmand vm0, vm1;
	vm3 =	vmand vm2, vm3  }
0x29: {  	vm2 =	vmand vm4, vm6;
	vm1 =	veq.f32 v25, v63;
	vm4 =	vmand vm7, vm8  }
0x2a: {  	vm8 =	vlt.f32 v26, v2;
	vm6 =	vmand vm9, vm10;
	vm10 =	veq.f32 v27, v63  }
0x2b: {  	vm12 =	vmand vm12, vm13;
	vm13 =	vlt.f32 v28, v2;
	vm9 =	vmand vm14, vm15  }
0x2c: {  	vm1 =	vmand vm1, vm8;
	v26 =	vbroadcast v12, $0xE;
	v28 =	vbroadcast v7, $0xE  }
0x2d: {  	vm8 =	vlt.f32 v32, v2;
	v32 =	vbroadcast v12, $0xD;
	v35 =	vbroadcast v11, $0xC  }
0x2e: {  	vm14 =	veq.f32 v29, v63;
	v36 =	vbroadcast v12, $0xC;
	v37 =	vbroadcast v7, $0xC  }
0x2f: {  	v3 =	vld [tilespmem:s4+$0x0];
	[tilespmem:$0x1FE90] =	vst v0;
	v0 =	vsel vm0, $0xFFFFFFFF, v57;
	v38 =	vbroadcast v11, $0xB;
	v39 =	vbroadcast v12, $0xB  }
0x30: {  	v4 =	vld [tilespmem:s5+$0x0];
	vm0 =	vlt.f32 v24, v2;
	v40 =	vbroadcast v7, $0xB;
	v41 =	vbroadcast v11, $0xA  }
0x31: {  	v5 =	vld [tilespmem:s7+$0x0];
	vm10 =	vmand vm10, vm13;
	v43 =	vbroadcast v12, $0xA;
	v44 =	vbroadcast v7, $0xA  }
0x32: {  	v13 =	vld [tilespmem:s15+$0x180];
	vm11 =	vmand vm11, vm0;
	v45 =	vbroadcast v11, $0x9;
	v46 =	vbroadcast v12, $0x9  }
0x33: {  	v6 =	vld [tilespmem:$0x1FE90];
	vm0 =	veq.f32 v31, v63;
	v47 =	vbroadcast v7, $0x9;
	v48 =	vbroadcast v11, $0x8  }
0x34: {  	[tilespmem:$0x1FE80] =	vst v0;
	v0 =	vld [tilespmem:s6+$0x0];
	vm0 =	vmand vm0, vm8;
	v49 =	vbroadcast v12, $0x8;
	v50 =	vbroadcast v7, $0x8  }
0x35: {  	vm8 =	vlt.f32 v34, v2;
	v51 =	vbroadcast v11, $0x7;
	v52 =	vbroadcast v12, $0x7  }
0x36: {  	v24 =	vsub.f32 v5, v4;
	v53 =	vbroadcast v7, $0x7;
	v54 =	vbroadcast v11, $0x6  }
0x37: {  	v56 =	vbroadcast v7, $0x6;
	v57 =	vbroadcast v11, $0x5;
	v42 =	vsub.f32 v13, v12  }
0x38: {  	v26 =	vmax.f32 v26, v4;
	v39 =	vmax.f32 v39, v4;
	vm7 =	vnez.u8 v6  }
0x39: {  	v6 =	vimm.s32 $0x0;
	v22 =	vsub.f32 v0, v3;
	v28 =	vmin.f32 v28, v0  }
0x3a: {  	vm7 =	vmand vm7, vm5;
	vm5 =	vlt.f32 v30, v2;
	v6 =	vsel vm10, $0xFFFFFFFF, v6  }
0x3b: {  	vm10 =	veq.f32 v14, v63;
	v30 =	vbroadcast v11, $0xD;
	vm14 =	vmand vm14, vm5  }
0x3c: {  	vm5 =	vlt.f32 v33, v2;
	v59 =	vmul.f32 v24, v22;
	v22 =	vbroadcast v7, $0xF  }
0x3d: {  	[tilespmem:$0x1FEF0] =	vst v6;
	v6 =	vimm.s32 $0x0;
	v24 =	vbroadcast v11, $0xE;
	v33 =	vbroadcast v7, $0xD  }
0x3e: {  	v6 =	vsel vm0, $0xFFFFFFFF, v6;
	vm0 =	veq.f32 v8, v63;
	vm5 =	vmand vm10, vm5  }
0x3f: {  	[tilespmem:$0x1FEB0] =	vst v2;
	vm10 =	vlt.f32 v55, v2;
	v55 =	vbroadcast v12, $0x6;
	v2 =	vsub.f32 v7, v11  }
0x40: {  	[tilespmem:$0x1FF00] =	vst v6;
	vm0 =	vmand vm0, vm8;
	v6 =	vimm.s32 $0x0;
	vm8 =	veq.f32 v9, v63  }
0x41: {  	[tilespmem:$0x1FED0] =	vst v59;
	v59 =	vbroadcast v13, $0x5;
	v22 =	vmin.f32 v22, v0;
	v24 =	vmax.f32 v24, v3  }
0x42: {  	v6 =	vsel vm0, $0xFFFFFFFF, v6;
	vm0 =	vgt.f32 v16, v63;
	vm8 =	vmand vm8, vm10  }
0x43: {  	v16 =	vbroadcast v12, $0xF;
	v34 =	vmul.f32 v42, v2;
	v1 =	vsel vm8, $0xFFFFFFFF, v58  }
0x44: {  	vm15 =	vmor vm0, vm2;
	vm0 =	vgt.f32 v15, v63;
	v15 =	vbroadcast v11, $0xF  }
0x45: {  	vm2 =	vgt.f32 v20, v63;
	v20 =	vbroadcast v13, $0xC;
	v58 =	vbroadcast v7, $0x5  }
0x46: {  	[tilespmem:$0x1FEA0] =	vst v6;
	v6 =	vimm.f32 $0.0e+00;
	vm13 =	vmor vm0, vm3;
	vm0 =	vgt.f32 v19, v63  }
0x47: {  	v19 =	vbroadcast v13, $0xF;
	vm9 =	vmor vm2, vm9;
	vm2 =	vgt.f32 v21, v63  }
0x48: {  	v21 =	vbroadcast v13, $0xB;
	v16 =	vmax.f32 v16, v4;
	vm12 =	vmor vm0, vm12  }
0x49: {  	vm0 =	vgt.f32 v18, v63;
	v18 =	vbroadcast v13, $0xE;
	vm7 =	vmor vm2, vm7  }
0x4a: {  	vm2 =	vgt.f32 v23, v63;
	v23 =	vbroadcast v13, $0xA;
	v15 =	vmax.f32 v15, v3  }
0x4b: {  	vm3 =	vmor vm0, vm6;
	vm0 =	vgt.f32 v17, v63;
	v17 =	vbroadcast v13, $0xD  }
0x4c: {  	v61 =	vld [tilespmem:$0x1FEF0];
	vm8 =	vmor vm2, vm11;
	vm2 =	vgt.f32 v25, v63;
	v25 =	vbroadcast v13, $0x9  }
0x4d: {  	v42 =	vsub.f32 v22, v15;
	v15 =	vbroadcast v11, $0x4;
	v22 =	vbroadcast v12, $0x4  }
0x4e: {  	v19 =	vmin.f32 v19, v5;
	vm0 =	vmor vm0, vm4;
	vm10 =	vmor vm2, vm1  }
0x4f: {  	vm2 =	vgt.f32 v27, v63;
	v27 =	vbroadcast v13, $0x8;
	vm1 =	vgt.f32 v29, v63  }
0x50: {  	[tilespmem:$0x1FEC0] =	vst v1;
	v29 =	vbroadcast v13, $0x7;
	v18 =	vmin.f32 v18, v5;
	v1 =	vsel vm0, $0xFFFFFFFF, v60  }
0x51: {  	vm0 =	vnez.u8 v61;
	vm6 =	vmor vm1, vm14;
	vm1 =	vgt.f32 v31, v63  }
0x52: {  	v62 =	vld [tilespmem:$0x1FF00];
	v31 =	vbroadcast v13, $0x6;
	v60 =	vsub.f32 v28, v24;
	v61 =	vsub.f32 v19, v16  }
0x53: {  	v16 =	vbroadcast v7, $0x4;
	v19 =	vmin.f32 v33, v0;
	v24 =	vmax.f32 v30, v3  }
0x54: {  	v33 =	vsub.f32 v18, v26;
	v26 =	vbroadcast v11, $0x3;
	v18 =	vmin.f32 v37, v0  }
0x55: {  	v28 =	vbroadcast v12, $0x3;
	v17 =	vmin.f32 v17, v5;
	v30 =	vmax.f32 v38, v3  }
0x56: {  	v38 =	vmax.f32 v54, v3;
	v54 =	vmin.f32 v58, v0;
	v15 =	vmax.f32 v15, v3  }
0x57: {  	v22 =	vmax.f32 v22, v4;
	vm11 =	vmor vm2, vm0;
	vm0 =	vnez.u8 v62  }
0x58: {  	v62 =	vsub.f32 v19, v24;
	v24 =	vbroadcast v13, $0x4;
	v19 =	vmax.f32 v35, v3  }
0x59: {  	v35 =	vmin.f32 v56, v0;
	v29 =	vmin.f32 v29, v5;
	vm4 =	vmor vm1, vm0  }
0x5a: {  	vm1 =	vgt.f32 v14, v63;
	v14 =	vbroadcast v12, $0x5;
	v37 =	vsub.f32 v18, v19  }
0x5b: {  	v18 =	vmax.f32 v32, v4;
	v19 =	vmin.f32 v40, v0;
	v32 =	vbroadcast v7, $0x2  }
0x5c: {  	[tilespmem:$0x1FFA0] =	vst v33;
	v33 =	vbroadcast v13, $0x2;
	v31 =	vmin.f32 v31, v5;
	v16 =	vmin.f32 v16, v0  }
0x5d: {  	[tilespmem:$0x1FF80] =	vst v61;
	v26 =	vmax.f32 v26, v3;
	vm2 =	vmor vm1, vm5;
	v61 =	vsub.f32 v17, v18  }
0x5e: {  	v17 =	vbroadcast v7, $0x3;
	v2 =	vsub.f32 v19, v30;
	v30 =	vbroadcast v13, $0x3  }
0x5f: {  	v18 =	vmin.f32 v20, v5;
	v19 =	vmax.f32 v36, v4;
	v20 =	vbroadcast v11, $0x2  }
0x60: {  	[tilespmem:$0x1FEE0] =	vst v1;
	v24 =	vmin.f32 v24, v5;
	v1 =	vsub.f32 v18, v19;
	v18 =	vmin.f32 v21, v5  }
0x61: {  	[tilespmem:$0x1FFB0] =	vst v37;
	v19 =	vmin.f32 v44, v0;
	v21 =	vmax.f32 v41, v3;
	v37 =	vmax.f32 v52, v4  }
0x62: {  	[tilespmem:$0x1FF70] =	vst v42;
	v14 =	vmax.f32 v14, v4;
	v33 =	vmin.f32 v33, v5;
	v42 =	vsub.f32 v19, v21  }
0x63: {  	[tilespmem:$0x1FF60] =	vst v60;
	v21 =	vbroadcast v12, $0x2;
	v60 =	vsub.f32 v18, v39;
	v18 =	vmin.f32 v47, v0  }
0x64: {  	v19 =	vmax.f32 v45, v3;
	v47 =	vmax.f32 v48, v3;
	v48 =	vbroadcast v11, $0x1  }
0x65: {  	v11 =	vbroadcast v11, $0x0;
	v39 =	vmax.f32 v55, v4;
	v55 =	vmax.f32 v57, v3  }
0x66: {  	v17 =	vmin.f32 v17, v0;
	v44 =	vmin.f32 v30, v5;
	v45 =	vmax.f32 v28, v4  }
0x67: {  	v20 =	vmax.f32 v20, v3;
	v30 =	vsub.f32 v16, v15;
	v15 =	vbroadcast v34, $0x8  }
0x68: {  	v16 =	vbroadcast v34, $0x7;
	v10 =	vsub.f32 v18, v19;
	v18 =	vmin.f32 v23, v5  }
0x69: {  	v19 =	vmax.f32 v43, v4;
	v23 =	vmin.f32 v50, v0;
	v28 =	vsub.f32 v54, v55  }
0x6a: {  	[tilespmem:$0x1FFE0] =	vst v9;
	v43 =	vmin.f32 v59, v5;
	v50 =	vsub.f32 v18, v19;
	v9 =	vsub.f32 v23, v47  }
0x6b: {  	v23 =	vbroadcast v12, $0x1;
	v18 =	vmin.f32 v25, v5;
	v25 =	vbroadcast v7, $0x1  }
0x6c: {  	v19 =	vmax.f32 v46, v4;
	v12 =	vbroadcast v12, $0x0;
	v7 =	vbroadcast v7, $0x0  }
0x6d: {  	v46 =	vmin.f32 v32, v0;
	v47 =	vmax.f32 v48, v3;
	v21 =	vmax.f32 v21, v4  }
0x6e: {  	v58 =	vmax.f32 v11, v3;
	v32 =	vsub.f32 v29, v37;
	v29 =	vsub.f32 v31, v39  }
0x6f: {  	v31 =	vsub.f32 v43, v14;
	v11 =	vbroadcast v34, $0xC;
	v14 =	vbroadcast v34, $0x9  }
0x70: {  	[tilespmem:$0x1FFD0] =	vst v8;
	v39 =	vbroadcast v34, $0x0;
	v8 =	vsub.f32 v18, v19;
	v19 =	vmin.f32 v27, v5  }
0x71: {  	v18 =	vmin.f32 v53, v0;
	v27 =	vmax.f32 v51, v3;
	v53 =	vmax.f32 v49, v4  }
0x72: {  	v36 =	vsub.f32 v46, v20;
	v41 =	vsub.f32 v33, v21;
	v21 =	vbroadcast v34, $0x4  }
0x73: {  	[tilespmem:$0x1FF90] =	vst v62;
	v20 =	vbroadcast v34, $0x5;
	v62 =	vsub.f32 v18, v27;
	v27 =	vbroadcast v13, $0x1  }
0x74: {  	v52 =	vld [tilespmem:$0x1FF60];
	v19 =	vsub.f32 v19, v53;
	v13 =	vbroadcast v13, $0x0;
	v25 =	vmin.f32 v25, v0  }
0x75: {  	v56 =	vmax.f32 v23, v4;
	v57 =	vmin.f32 v7, v0;
	v53 =	vld [tilespmem:$0x1FF70];
	v48 =	vmin.f32 v27, v5  }
0x76: {  	[tilespmem:$0x1FF20] =	vst v0;
	v0 =	vmax.f32 v12, v4;
	v7 =	vsub.f32 v17, v26;
	v43 =	vsub.f32 v48, v56;
	v56 =	vld [tilespmem:$0x1FFA0]  }
0x77: {  	[tilespmem:$0x1FF50] =	vst v4;
	v4 =	vsub.f32 v24, v22;
	v22 =	vbroadcast v34, $0xE;
	v26 =	vbroadcast v34, $0xF  }
0x78: {  	v54 =	vld [tilespmem:$0x1FF80];
	v37 =	vsub.f32 v44, v45;
	v23 =	vbroadcast v34, $0xD;
	v12 =	vbroadcast v34, $0xB  }
0x79: {  	v55 =	vld [tilespmem:$0x1FF90];
	v42 =	vmax.f32 v42, $0.0e+00;
	v17 =	vbroadcast v34, $0x6;
	v24 =	vbroadcast v34, $0x3  }
0x7a: {  	v44 =	vmax.f32 v52, $0.0e+00;
	v52 =	vmax.f32 v61, $0.0e+00;
	v33 =	vsub.f32 v57, v58;
	v57 =	vld [tilespmem:$0x1FFB0]  }
0x7b: {  	v45 =	vmax.f32 v53, $0.0e+00;
	v53 =	vmax.f32 v56, $0.0e+00;
	v56 =	vmax.f32 v60, $0.0e+00;
	v60 =	vld [tilespmem:$0x1FFE0]  }
0x7c: {  	v49 =	vmax.f32 v50, $0.0e+00;
	v50 =	vmax.f32 v9, $0.0e+00;
	v58 =	vld [tilespmem:$0x1FFC0];
	v59 =	vmin.f32 v13, v5  }
0x7d: {  	v61 =	vimm.s32 $0x0;
	v27 =	vsub.f32 v35, v38;
	v38 =	vsub.f32 v59, v0;
	v59 =	vld [tilespmem:$0x1FFD0]  }
0x7e: {  	v40 =	vsub.f32 v25, v47;
	v25 =	vbroadcast v34, $0x2;
	v47 =	vmax.f32 v2, $0.0e+00  }
0x7f: {  	[tilespmem:$0x1FF30] =	vst v3;
	v13 =	vbroadcast v34, $0xA;
	v34 =	vbroadcast v34, $0x1;
	v51 =	vmax.f32 v54, $0.0e+00  }
0x80: {  	[tilespmem:$0x1FF40] =	vst v5;
	v46 =	vmax.f32 v55, $0.0e+00;
	v54 =	vmax.f32 v1, $0.0e+00;
	vm1 =	vgt.f32 v60, v63  }
0x81: {  	[tilespmem:$0x1FF10] =	vst v6;
	v55 =	vmax.f32 v10, $0.0e+00;
	v48 =	vmax.f32 v57, $0.0e+00;
	v0 =	vsel vm1, $0xFFFFFFFF, v61  }
0x82: {  	s16 =	simm.s32 $0x0;
	s15 =	simm.s32 $0x10;
	v57 =	vmax.f32 v8, $0.0e+00;
	vm14 =	vgt.f32 v58, v63;
	vm0 =	vgt.f32 v59, v63;
	[tilespmem:$0x1FFF0] =	vst v0  }
.LBB2_2:
0x83: {  	v58 =	vmax.f32 v62, $0.0e+00;
	v32 =	vmax.f32 v32, $0.0e+00;
	v59 =	vmax.f32 v19, $0.0e+00  }
0x84: {  	v28 =	vmax.f32 v28, $0.0e+00;
	v27 =	vmax.f32 v27, $0.0e+00;
	v29 =	vmax.f32 v29, $0.0e+00  }
0x85: {  	v30 =	vmax.f32 v30, $0.0e+00;
	v35 =	vmax.f32 v4, $0.0e+00;
	v31 =	vmax.f32 v31, $0.0e+00  }
0x86: {  	v60 =	vmax.f32 v7, $0.0e+00;
	v37 =	vmax.f32 v37, $0.0e+00;
	v40 =	vmax.f32 v40, $0.0e+00  }
0x87: {  	v41 =	vmax.f32 v41, $0.0e+00;
	v8 =	vmul.f32 v51, v45;
	v10 =	vmul.f32 v52, v46;
	v1 =	vld [tilespmem:$0x1FED0]  }
0x88: {  	v43 =	vmax.f32 v43, $0.0e+00;
	v9 =	vmul.f32 v53, v44;
	v18 =	vmul.f32 v56, v47  }
0x89: {  	v33 =	vmax.f32 v33, $0.0e+00;
	v7 =	vmul.f32 v54, v48;
	v57 =	vmul.f32 v57, v55  }
0x8a: {  	v19 =	vmul.f32 v49, v42;
	v36 =	vmax.f32 v36, $0.0e+00;
	v32 =	vmul.f32 v32, v58  }
0x8b: {  	v38 =	vmax.f32 v38, $0.0e+00;
	v61 =	vmul.f32 v59, v50;
	v28 =	vmul.f32 v31, v28  }
0x8c: {  	v27 =	vmul.f32 v29, v27;
	v29 =	vmul.f32 v37, v60;
	v26 =	vadd.f32 v26, v1  }
0x8d: {  	v30 =	vmul.f32 v35, v30;
	v22 =	vadd.f32 v22, v1;
	v23 =	vadd.f32 v23, v1  }
0x8e: {  	v31 =	vmul.f32 v43, v40;
	v2 =	vadd.f32 v39, v1;
	v34 =	vadd.f32 v34, v1  }
0x8f: {  	v62 =	vmul.f32 v41, v36;
	v25 =	vadd.f32 v25, v1;
	v26 =	vsub.f32 v26, v8  }
0x90: {  	v33 =	vmul.f32 v38, v33;
	v24 =	vadd.f32 v24, v1;
	v22 =	vsub.f32 v22, v9  }
0x91: {  	v21 =	vadd.f32 v21, v1;
	v23 =	vsub.f32 v23, v10;
	(erf) = vrcp.f32 v26  }
0x92: {  	v20 =	vadd.f32 v20, v1;
	v26 =	vsub.f32 v2, v33;
	(erf) = vrcp.f32 v22  }
0x93: {  	v17 =	vadd.f32 v17, v1;
	v22 =	vsub.f32 v34, v31;
	(erf) = vrcp.f32 v23  }
0x94: {  	v16 =	vadd.f32 v16, v1;
	v23 =	vsub.f32 v25, v62;
	(erf) = vrcp.f32 v26  }
0x95: {  	v15 =	vadd.f32 v15, v1;
	v24 =	vsub.f32 v24, v29;
	(erf) = vrcp.f32 v22  }
0x96: {  	v38 =	vld [tilespmem:$0x1FEA0];
	v14 =	vadd.f32 v14, v1;
	v21 =	vsub.f32 v21, v30;
	(erf) = vrcp.f32 v23  }
0x97: {  	v13 =	vadd.f32 v13, v1;
	v20 =	vsub.f32 v20, v28;
	(erf) = vrcp.f32 v24  }
0x98: {  	v40 =	vld [tilespmem:$0x1FFF0];
	v12 =	vadd.f32 v12, v1;
	v0 =	vsub.f32 v17, v27;
	(erf) = vrcp.f32 v21  }
0x99: {  	v11 =	vadd.f32 v11, v1;
	v39 =	vld [tilespmem:$0x1FEC0];
	v2 =	vsub.f32 v16, v32;
	(erf) = vrcp.f32 v20  }
0x9a: {  	v3 =	vsub.f32 v15, v61;
	v14 =	vsub.f32 v14, v57;
	(erf) = vrcp.f32 v0;
	v17 =	vpop (erf)  }
0x9b: {  	v13 =	vsub.f32 v13, v19;
	vm1 =	vnez.u8 v38;
	(erf) = vrcp.f32 v2;
	v16 =	vpop (erf)  }
0x9c: {  	v41 =	vld [tilespmem:$0x1FF10];
	v12 =	vsub.f32 v12, v18;
	v11 =	vsub.f32 v11, v7;
	(erf) = vrcp.f32 v3;
	v15 =	vpop (erf)  }
0x9d: {  	vm1 =	vmor vm0, vm1;
	vm0 =	vnez.u8 v40;
	v20 =	vpop (erf);
	(erf) = vrcp.f32 v14  }
0x9e: {  	vm5 =	vnez.u8 v39;
	v14 =	vmul.f32 v20, v33;
	v20 =	vpop (erf);
	(erf) = vrcp.f32 v13  }
0x9f: {  	vm5 =	vmor vm0, vm5;
	v13 =	vmul.f32 v20, v31;
	v20 =	vpop (erf);
	(erf) = vrcp.f32 v12  }
0xa0: {  	v12 =	vnsel vm5, $0x0, v14;
	v14 =	vmul.f32 v20, v62;
	v20 =	vpop (erf);
	(erf) = vrcp.f32 v11  }
0xa1: {  	v11 =	vmax.f32 v41, v12;
	v12 =	vnsel vm1, $0x0, v13;
	v13 =	vmul.f32 v20, v29;
	v20 =	vpop (erf)  }
0xa2: {  	v11 =	vmax.f32 v11, v12;
	v12 =	vnsel vm2, $0x0, v14;
	v14 =	vmul.f32 v20, v30;
	v20 =	vpop (erf)  }
0xa3: {  	v11 =	vmax.f32 v11, v12;
	v12 =	vnsel vm4, $0x0, v13;
	v13 =	vmul.f32 v20, v28;
	v20 =	vpop (erf)  }
0xa4: {  	v11 =	vmax.f32 v11, v12;
	v12 =	vnsel vm6, $0x0, v14;
	v14 =	vmul.f32 v20, v27;
	v20 =	vpop (erf)  }
0xa5: {  	v11 =	vmax.f32 v11, v12;
	v12 =	vnsel vm11, $0x0, v13;
	v13 =	vmul.f32 v20, v32;
	v20 =	vpop (erf)  }
0xa6: {  	v43 =	vld [tilespmem:$0x1FEE0];
	v11 =	vmax.f32 v11, v12;
	v12 =	vnsel vm10, $0x0, v14;
	v14 =	vmul.f32 v20, v61;
	v20 =	vpop (erf)  }
0xa7: {  	s16 =	sadd.s32 $0x80, s16;
	v44 =	vld [tilespmem:$0x1FE80];
	v11 =	vmax.f32 v11, v12;
	v12 =	vnsel vm8, $0x0, v13;
	v13 =	vmul.f32 v20, v57;
	v20 =	vpop (erf)  }
0xa8: {  	s17 =	sand.u32 $0x70, s15;
	s18 =	sand.u32 $0xFC00, s16;
	v11 =	vmax.f32 v11, v12;
	v12 =	vnsel vm7, $0x0, v14;
	v14 =	vmul.f32 v20, v19;
	v19 =	vpop (erf)  }
0xa9: {  	s17 =	sor.u32 s17, s18;
	v11 =	vmax.f32 v11, v12;
	v12 =	vnsel vm9, $0x0, v13;
	v13 =	vmul.f32 v19, v18;
	v18 =	vpop (erf)  }
0xaa: {  	v7 =	vmul.f32 v18, v7;
	v18 =	vld [tilespmem:s17+$0x0]  }
0xab: {  	vm0 =	vnez.u8 v43  }
0xac: {  	v7 =	vnsel vm0, $0x0, v7;
	vm0 =	vnez.u8 v44;
	v44 =	vld [tilespmem:s17+$0x80];
	_ =	sdelay $0x2  }
0xad: {  	v3 =	vbroadcast v18, $0x5;
	_ =	sdelay $0x1  }
0xae: {  	[tilespmem:$0x1FAF0] =	vst v3;
	v3 =	vbroadcast v44, $0x5;
	_ =	sdelay $0x1  }
0xaf: {  	[tilespmem:$0x1FB00] =	vst v3;
	v3 =	vbroadcast v44, $0x4;
	_ =	sdelay $0x1  }
0xb0: {  	[tilespmem:$0x1FB10] =	vst v3;
	v3 =	vbroadcast v44, $0x3;
	_ =	sdelay $0x1  }
0xb1: {  	[tilespmem:$0x1FB20] =	vst v3;
	v3 =	vbroadcast v18, $0x2;
	_ =	sdelay $0x1  }
0xb2: {  	[tilespmem:$0x1FB30] =	vst v3;
	v3 =	vbroadcast v44, $0x2  }
0xb3: {  	v1 =	vld [tilespmem:s17+$0x100]  }
0xb4: {  	[tilespmem:$0x1FB50] =	vst v3;
	v3 =	vbroadcast v18, $0x1;
	_ =	sdelay $0x1  }
0xb5: {  	[tilespmem:$0x1FB40] =	vst v3;
	v3 =	vbroadcast v44, $0x1;
	_ =	sdelay $0x1  }
0xb6: {  	v61 =	vld [tilespmem:s17+$0x180];
	v11 =	vmax.f32 v11, v12;
	v12 =	vnsel vm12, $0x0, v14;
	[tilespmem:$0x1FB70] =	vst v3;
	v3 =	vsub.f32 v1, v18  }
0xb7: {  	v10 =	vmul.f32 v15, v10;
	v19 =	vld [tilespmem:s17+$0x200];
	v11 =	vmax.f32 v11, v12;
	v12 =	vnsel vm3, $0x0, v13  }
0xb8: {  	v9 =	vmul.f32 v16, v9;
	v11 =	vmax.f32 v11, v12;
	[tilespmem:$0x1FB60] =	vst v3;
	v3 =	vbroadcast v18, $0x0  }
0xb9: {  	v8 =	vmul.f32 v17, v8;
	v10 =	vnsel vm15, $0x0, v10;
	v7 =	vmax.f32 v11, v7  }
0xba: {  	v9 =	vnsel vm13, $0x0, v9;
	v7 =	vmax.f32 v7, v10;
	[tilespmem:$0x1FB80] =	vst v3;
	v3 =	vbroadcast v44, $0x0  }
0xbb: {  	vm0 =	vmor vm14, vm0;
	v7 =	vmax.f32 v7, v9  }
0xbc: {  	v9 =	vnsel vm0, $0x0, v8;
	v8 =	vbroadcast v19, $0xF;
	[tilespmem:$0x1FBA0] =	vst v3;
	v3 =	vbroadcast v61, $0x0  }
0xbd: {  	v45 =	vmax.f32 v7, v9  }
0xbe: {  	v7 =	vbroadcast v19, $0xE;
	vm0 =	vgt.f32 v8, v63;
	[tilespmem:$0x1FB90] =	vst v3;
	v3 =	vimm.s32 $0x0  }
0xbf: {  	v3 =	vsel vm0, $0xFFFFFFFF, v3  }
0xc0: {  	vm0 =	vgt.f32 v7, v63;
	[tilespmem:$0x1FCF0] =	vst v3;
	v3 =	vimm.s32 $0x0  }
0xc1: {  	v3 =	vsel vm0, $0xFFFFFFFF, v3  }
0xc2: {  	v14 =	vld [tilespmem:s17+$0x280];
	vm0 =	veq.f32 v8, v63;
	[tilespmem:$0x1FD30] =	vst v3;
	v3 =	vimm.s32 $0x0  }
0xc3: {  	v3 =	vsel vm0, $0xFFFFFFFF, v3  }
0xc4: {  	[tilespmem:$0x1FBC0] =	vst v3;
	v3 =	vld [tilespmem:$0x1FEB0];
	_ =	sdelay $0x2  }
0xc5: {  	v37 =	vbroadcast v14, $0xF;
	_ =	sdelay $0x1  }
0xc6: {  	v9 =	vbroadcast v19, $0xD;
	v8 =	vimm.s32 $0x0;
	vm0 =	vlt.f32 v37, v3  }
0xc7: {  	v8 =	vsel vm0, $0xFFFFFFFF, v8  }
0xc8: {  	v10 =	vbroadcast v19, $0xC;
	vm0 =	vgt.f32 v9, v63;
	[tilespmem:$0x1FBD0] =	vst v8;
	v8 =	vimm.s32 $0x0  }
0xc9: {  	v8 =	vsel vm0, $0xFFFFFFFF, v8;
	vm0 =	veq.f32 v7, v63;
	v7 =	vimm.s32 $0x0  }
0xca: {  	v7 =	vsel vm0, $0xFFFFFFFF, v7  }
0xcb: {  	vm0 =	vgt.f32 v10, v63;
	[tilespmem:$0x1FBE0] =	vst v7;
	v7 =	vimm.s32 $0x0  }
0xcc: {  	v7 =	vsel vm0, $0xFFFFFFFF, v7  }
0xcd: {  	v11 =	vbroadcast v19, $0xB;
	vm0 =	veq.f32 v9, v63;
	[tilespmem:$0x1FD60] =	vst v7;
	v7 =	vimm.s32 $0x0  }
0xce: {  	v7 =	vsel vm0, $0xFFFFFFFF, v7  }
0xcf: {  	vm0 =	vgt.f32 v11, v63;
	[tilespmem:$0x1FC10] =	vst v7;
	v7 =	vimm.s32 $0x0  }
0xd0: {  	v7 =	vsel vm0, $0xFFFFFFFF, v7  }
0xd1: {  	v57 =	vbroadcast v19, $0xA;
	vm0 =	veq.f32 v10, v63;
	[tilespmem:$0x1FD50] =	vst v7;
	v7 =	vimm.s32 $0x0  }
0xd2: {  	v7 =	vsel vm0, $0xFFFFFFFF, v7  }
0xd3: {  	vm0 =	vgt.f32 v57, v63;
	[tilespmem:$0x1FC30] =	vst v7;
	v7 =	vimm.s32 $0x0  }
0xd4: {  	v7 =	vsel vm0, $0xFFFFFFFF, v7  }
0xd5: {  	v49 =	vbroadcast v19, $0x9;
	vm0 =	veq.f32 v11, v63;
	[tilespmem:$0x1FD40] =	vst v7;
	v7 =	vimm.s32 $0x0  }
0xd6: {  	v7 =	vsel vm0, $0xFFFFFFFF, v7  }
0xd7: {  	vm0 =	vgt.f32 v49, v63;
	[tilespmem:$0x1FC40] =	vst v7;
	v7 =	vimm.s32 $0x0  }
0xd8: {  	v46 =	vbroadcast v14, $0xA;
	v7 =	vsel vm0, $0xFFFFFFFF, v7  }
0xd9: {  	vm0 =	veq.f32 v57, v63;
	[tilespmem:$0x1FD80] =	vst v7;
	v7 =	vimm.s32 $0x0  }
0xda: {  	[tilespmem:$0x1F940] =	vst v46;
	v7 =	vsel vm0, $0xFFFFFFFF, v7  }
0xdb: {  	[tilespmem:$0x1FC50] =	vst v7;
	v7 =	vld [tilespmem:$0x1F940];
	_ =	sdelay $0x2  }
0xdc: {  	v41 =	vbroadcast v19, $0x8;
	_ =	sdelay $0x1  }
0xdd: {  	vm0 =	vgt.f32 v41, v63;
	vm9 =	vlt.f32 v7, v3;
	v7 =	vimm.s32 $0x0  }
0xde: {  	v47 =	vbroadcast v14, $0x9;
	v7 =	vsel vm0, $0xFFFFFFFF, v7  }
0xdf: {  	vm0 =	veq.f32 v49, v63;
	[tilespmem:$0x1FD90] =	vst v7;
	v7 =	vimm.s32 $0x0  }
0xe0: {  	[tilespmem:$0x1F950] =	vst v47;
	v7 =	vsel vm0, $0xFFFFFFFF, v7  }
0xe1: {  	[tilespmem:$0x1FC60] =	vst v7;
	v7 =	vld [tilespmem:$0x1F950];
	_ =	sdelay $0x2  }
0xe2: {  	v34 =	vbroadcast v19, $0x7;
	_ =	sdelay $0x1  }
0xe3: {  	vm0 =	vgt.f32 v34, v63;
	vm8 =	vlt.f32 v7, v3;
	v7 =	vimm.s32 $0x0  }
0xe4: {  	v48 =	vbroadcast v14, $0x8;
	v7 =	vsel vm0, $0xFFFFFFFF, v7  }
0xe5: {  	vm0 =	veq.f32 v41, v63;
	[tilespmem:$0x1FDA0] =	vst v7;
	v7 =	vimm.s32 $0x0  }
0xe6: {  	[tilespmem:$0x1F960] =	vst v48;
	v7 =	vsel vm0, $0xFFFFFFFF, v7  }
0xe7: {  	[tilespmem:$0x1FC70] =	vst v7;
	v7 =	vld [tilespmem:$0x1F960];
	_ =	sdelay $0x2  }
0xe8: {  	v31 =	vbroadcast v19, $0x6;
	_ =	sdelay $0x1  }
0xe9: {  	vm0 =	vgt.f32 v31, v63;
	vm7 =	vlt.f32 v7, v3;
	v7 =	vimm.s32 $0x0  }
0xea: {  	v50 =	vbroadcast v14, $0x7;
	v7 =	vsel vm0, $0xFFFFFFFF, v7  }
0xeb: {  	vm0 =	veq.f32 v34, v63;
	[tilespmem:$0x1FDB0] =	vst v7;
	v7 =	vimm.s32 $0x0  }
0xec: {  	[tilespmem:$0x1F970] =	vst v50;
	v7 =	vsel vm0, $0xFFFFFFFF, v7  }
0xed: {  	[tilespmem:$0x1FC80] =	vst v7;
	v7 =	vld [tilespmem:$0x1F970];
	_ =	sdelay $0x2  }
0xee: {  	v29 =	vbroadcast v19, $0x5;
	_ =	sdelay $0x1  }
0xef: {  	vm0 =	vgt.f32 v29, v63;
	vm6 =	vlt.f32 v7, v3;
	v7 =	vimm.s32 $0x0  }
0xf0: {  	v52 =	vbroadcast v14, $0x6;
	v7 =	vsel vm0, $0xFFFFFFFF, v7  }
0xf1: {  	vm0 =	veq.f32 v31, v63;
	[tilespmem:$0x1FDC0] =	vst v7;
	v7 =	vimm.s32 $0x0  }
0xf2: {  	[tilespmem:$0x1F980] =	vst v52;
	v7 =	vsel vm0, $0xFFFFFFFF, v7  }
0xf3: {  	[tilespmem:$0x1FC90] =	vst v7;
	v7 =	vld [tilespmem:$0x1F980];
	_ =	sdelay $0x2  }
0xf4: {  	v26 =	vbroadcast v19, $0x4;
	_ =	sdelay $0x1  }
0xf5: {  	vm0 =	vgt.f32 v26, v63;
	vm5 =	vlt.f32 v7, v3;
	v7 =	vimm.s32 $0x0  }
0xf6: {  	v53 =	vbroadcast v14, $0x5;
	v7 =	vsel vm0, $0xFFFFFFFF, v7  }
0xf7: {  	vm0 =	veq.f32 v29, v63;
	[tilespmem:$0x1FDD0] =	vst v7;
	v7 =	vimm.s32 $0x0  }
0xf8: {  	[tilespmem:$0x1F990] =	vst v53;
	v7 =	vsel vm0, $0xFFFFFFFF, v7  }
0xf9: {  	[tilespmem:$0x1FCA0] =	vst v7;
	v7 =	vld [tilespmem:$0x1F990];
	_ =	sdelay $0x2  }
0xfa: {  	v24 =	vbroadcast v19, $0x3;
	_ =	sdelay $0x1  }
0xfb: {  	vm0 =	vgt.f32 v24, v63;
	vm4 =	vlt.f32 v7, v3;
	v7 =	vimm.s32 $0x0  }
0xfc: {  	v54 =	vbroadcast v14, $0x4;
	v7 =	vsel vm0, $0xFFFFFFFF, v7  }
0xfd: {  	vm0 =	veq.f32 v26, v63;
	[tilespmem:$0x1FDE0] =	vst v7;
	v7 =	vimm.s32 $0x0  }
0xfe: {  	[tilespmem:$0x1F9A0] =	vst v54;
	v7 =	vsel vm0, $0xFFFFFFFF, v7  }
0xff: {  	[tilespmem:$0x1FCB0] =	vst v7;
	v7 =	vld [tilespmem:$0x1F9A0];
	_ =	sdelay $0x2  }
0x100: {  	v21 =	vbroadcast v19, $0x2;
	_ =	sdelay $0x1  }
0x101: {  	vm0 =	vgt.f32 v21, v63;
	vm3 =	vlt.f32 v7, v3;
	v7 =	vimm.s32 $0x0  }
0x102: {  	v55 =	vbroadcast v1, $0xF;
	v15 =	vbroadcast v19, $0x1;
	v7 =	vsel vm0, $0xFFFFFFFF, v7  }
0x103: {  	v13 =	vbroadcast v19, $0x0;
	vm0 =	veq.f32 v24, v63;
	[tilespmem:$0x1FDF0] =	vst v7;
	v7 =	vimm.s32 $0x0  }
0x104: {  	v38 =	vbroadcast v14, $0xE;
	v51 =	vbroadcast v14, $0xC;
	v7 =	vsel vm0, $0xFFFFFFFF, v7  }
0x105: {  	v56 =	vbroadcast v14, $0xB;
	vm0 =	vgt.f32 v15, v63;
	[tilespmem:$0x1FCC0] =	vst v7;
	v7 =	vimm.s32 $0x0  }
0x106: {  	v62 =	vbroadcast v14, $0x3;
	v27 =	vbroadcast v14, $0x2;
	v7 =	vsel vm0, $0xFFFFFFFF, v7  }
0x107: {  	v23 =	vbroadcast v14, $0x1;
	vm0 =	veq.f32 v21, v63;
	[tilespmem:$0x1FD70] =	vst v7;
	v7 =	vimm.s32 $0x0  }
0x108: {  	v5 =	vbroadcast v14, $0x0;
	[tilespmem:$0x1FF10] =	vst v45;
	v45 =	vbroadcast v14, $0xD;
	v7 =	vsel vm0, $0xFFFFFFFF, v7  }
0x109: {  	vm13 =	vlt.f32 v38, v3;
	vm0 =	vgt.f32 v13, v63;
	[tilespmem:$0x1FCD0] =	vst v7;
	v7 =	vimm.s32 $0x0  }
0x10a: {  	vm12 =	vlt.f32 v45, v3;
	vm11 =	vlt.f32 v51, v3;
	v7 =	vsel vm0, $0xFFFFFFFF, v7  }
0x10b: {  	vm10 =	vlt.f32 v56, v3;
	vm0 =	veq.f32 v15, v63;
	[tilespmem:$0x1FFF0] =	vst v7;
	v7 =	vimm.s32 $0x0  }
0x10c: {  	vm2 =	vlt.f32 v62, v3;
	vm1 =	vlt.f32 v27, v3;
	v7 =	vsel vm0, $0xFFFFFFFF, v7  }
0x10d: {  	vm14 =	vlt.f32 v23, v3;
	vm0 =	veq.f32 v13, v63;
	[tilespmem:$0x1FCE0] =	vst v7;
	v7 =	vimm.s32 $0x0  }
0x10e: {  	v7 =	vsel vm0, $0xFFFFFFFF, v7;
	vm0 =	vlt.f32 v5, v3;
	v3 =	vimm.s32 $0x0  }
0x10f: {  	[tilespmem:$0x1F9B0] =	vst v55;
	v5 =	vld [tilespmem:$0x1FF20];
	v3 =	vsel vm0, $0xFFFFFFFF, v3  }
0x110: {  	[tilespmem:$0x1FD10] =	vst v3;
	v3 =	vld [tilespmem:$0x1F9B0];
	_ =	sdelay $0x1  }
0x111: {  	v58 =	vbroadcast v61, $0xF;
	_ =	sdelay $0x1  }
0x112: {  	[tilespmem:$0x1F9C0] =	vst v58;
	v62 =	vld [tilespmem:$0x1FF40]  }
0x113: {  	v33 =	vbroadcast v61, $0xD;
	v0 =	vbroadcast v18, $0xF;
	v34 =	vld [tilespmem:$0x1F9C0];
	v3 =	vmin.f32 v3, v5  }
0x114: {  	v35 =	vbroadcast v18, $0xC;
	v17 =	vbroadcast v44, $0xF;
	[tilespmem:$0x1FBB0] =	vst v3;
	v3 =	vld [tilespmem:$0x1FF30]  }
0x115: {  	v6 =	vbroadcast v44, $0xE;
	v14 =	vbroadcast v44, $0xD  }
0x116: {  	v36 =	vbroadcast v44, $0xC;
	v12 =	vbroadcast v44, $0xB  }
0x117: {  	[tilespmem:$0x1FA00] =	vst v33;
	v47 =	vbroadcast v44, $0xA;
	v52 =	vbroadcast v44, $0x9  }
0x118: {  	[tilespmem:$0x1FA10] =	vst v35;
	v55 =	vbroadcast v44, $0x7;
	v33 =	vbroadcast v44, $0x6;
	v35 =	vsub.f32 v61, v44  }
0x119: {  	[tilespmem:$0x1FA30] =	vst v36;
	v36 =	vbroadcast v44, $0x8;
	v44 =	vmax.f32 v0, v3;
	v0 =	vmin.f32 v34, v62  }
0x11a: {  	[tilespmem:$0x1FBF0] =	vst v0;
	v0 =	vld [tilespmem:$0x1FF50];
	_ =	sdelay $0x4  }
0x11b: {  	v24 =	vmax.f32 v6, v0;
	v6 =	vld [tilespmem:$0x1FA00];
	_ =	sdelay $0x4  }
0x11c: {  	v29 =	vmin.f32 v6, v62;
	v6 =	vld [tilespmem:$0x1FA10];
	_ =	sdelay $0x1  }
0x11d: {  	v39 =	vbroadcast v61, $0xC;
	_ =	sdelay $0x1  }
0x11e: {  	[tilespmem:$0x1FA20] =	vst v39  }
0x11f: {  	v34 =	vmax.f32 v6, v3;
	v6 =	vld [tilespmem:$0x1FA20];
	_ =	sdelay $0x4  }
0x120: {  	v37 =	vmin.f32 v6, v62;
	v6 =	vld [tilespmem:$0x1FA30];
	_ =	sdelay $0x1  }
0x121: {  	v40 =	vbroadcast v18, $0xB;
	_ =	sdelay $0x1  }
0x122: {  	[tilespmem:$0x1FA40] =	vst v40  }
0x123: {  	v38 =	vmax.f32 v6, v0;
	v6 =	vld [tilespmem:$0x1FA40];
	_ =	sdelay $0x1  }
0x124: {  	v42 =	vbroadcast v61, $0xB  }
0x125: {  	v43 =	vbroadcast v1, $0xC  }
0x126: {  	[tilespmem:$0x1FA50] =	vst v42  }
0x127: {  	v26 =	vmin.f32 v43, v5;
	v43 =	vmax.f32 v6, v3;
	v6 =	vld [tilespmem:$0x1FA50];
	_ =	sdelay $0x1  }
0x128: {  	v46 =	vbroadcast v18, $0xA;
	_ =	sdelay $0x1  }
0x129: {  	[tilespmem:$0x1FA60] =	vst v46  }
0x12a: {  	v45 =	vmin.f32 v6, v62;
	v6 =	vld [tilespmem:$0x1FA60];
	_ =	sdelay $0x1  }
0x12b: {  	v48 =	vbroadcast v61, $0xA;
	_ =	sdelay $0x1  }
0x12c: {  	[tilespmem:$0x1FA70] =	vst v48  }
0x12d: {  	v49 =	vmax.f32 v6, v3;
	v6 =	vld [tilespmem:$0x1FA70];
	_ =	sdelay $0x1  }
0x12e: {  	[tilespmem:$0x1FA80] =	vst v47  }
0x12f: {  	v54 =	vbroadcast v1, $0xB;
	[tilespmem:$0x1FAC0] =	vst v55  }
0x130: {  	v60 =	vbroadcast v61, $0xE;
	[tilespmem:$0x1FD00] =	vst v7;
	v7 =	vmax.f32 v17, v0;
	v17 =	vmax.f32 v36, v0;
	v36 =	vld [tilespmem:$0x1FAC0]  }
0x131: {  	v59 =	vbroadcast v1, $0xE;
	v41 =	vmin.f32 v54, v5;
	v54 =	vmin.f32 v6, v62;
	v6 =	vld [tilespmem:$0x1FA80]  }
0x132: {  	[tilespmem:$0x1F9E0] =	vst v60;
	v32 =	vbroadcast v18, $0xD;
	v60 =	vbroadcast v18, $0x6  }
0x133: {  	v4 =	vbroadcast v18, $0x7;
	v50 =	vbroadcast v18, $0x9  }
0x134: {  	v19 =	vbroadcast v18, $0xE;
	v53 =	vbroadcast v18, $0x8;
	[tilespmem:$0x1FAD0] =	vst v60  }
0x135: {  	v60 =	vbroadcast v18, $0x3;
	[tilespmem:$0x1FA90] =	vst v50;
	v47 =	vbroadcast v18, $0x4;
	v18 =	vmax.f32 v36, v0;
	v36 =	vld [tilespmem:$0x1FAD0]  }
0x136: {  	v56 =	vmax.f32 v6, v0;
	v6 =	vld [tilespmem:$0x1FA90]  }
0x137: {  	[tilespmem:$0x1F9D0] =	vst v59  }
0x138: {  	[tilespmem:$0x1FC00] =	vst v7;
	v7 =	vld [tilespmem:$0x1F9D0]  }
0x139: {  	[tilespmem:$0x1FAE0] =	vst v33  }
0x13a: {  	[tilespmem:$0x1FAA0] =	vst v52;
	v10 =	vmax.f32 v36, v3;
	v36 =	vld [tilespmem:$0x1FAE0]  }
0x13b: {  	v57 =	vmax.f32 v6, v3;
	v6 =	vld [tilespmem:$0x1FAA0]  }
0x13c: {  	v2 =	vbroadcast v1, $0x6  }
0x13d: {  	v27 =	vmin.f32 v7, v5;
	v7 =	vld [tilespmem:$0x1F9E0]  }
0x13e: {  	v59 =	vbroadcast v61, $0x9;
	v58 =	vbroadcast v1, $0xD;
	v15 =	vmin.f32 v2, v5;
	v2 =	vld [tilespmem:$0x1FB40]  }
0x13f: {  	[tilespmem:$0x1FAB0] =	vst v53;
	v31 =	vmax.f32 v14, v0;
	v14 =	vmax.f32 v36, v0;
	v36 =	vld [tilespmem:$0x1FAF0]  }
0x140: {  	v23 =	vmin.f32 v58, v5;
	v58 =	vmin.f32 v59, v62;
	v59 =	vmax.f32 v6, v0;
	v6 =	vld [tilespmem:$0x1FAB0]  }
0x141: {  	v39 =	vbroadcast v61, $0x5;
	v52 =	vbroadcast v61, $0x8  }
0x142: {  	[tilespmem:$0x1F9F0] =	vst v32;
	v55 =	vbroadcast v61, $0x7;
	v50 =	vbroadcast v61, $0x6;
	v7 =	vmin.f32 v7, v62  }
0x143: {  	v48 =	vbroadcast v61, $0x4;
	v46 =	vbroadcast v61, $0x3;
	[tilespmem:$0x1FC20] =	vst v7;
	v7 =	vld [tilespmem:$0x1F9F0]  }
0x144: {  	v33 =	vbroadcast v61, $0x2;
	v13 =	vmax.f32 v4, v3;
	v4 =	vmax.f32 v36, v3;
	v36 =	vld [tilespmem:$0x1FB00]  }
0x145: {  	v53 =	vbroadcast v61, $0x1;
	v61 =	vmax.f32 v6, v3;
	v6 =	vmax.f32 v2, v3;
	v2 =	vld [tilespmem:$0x1FB50];
	_ =	sdelay $0x3  }
0x146: {  	v21 =	vmax.f32 v7, v3;
	v7 =	vmax.f32 v36, v0;
	v36 =	vld [tilespmem:$0x1FB10]  }
0x147: {  	v9 =	vmax.f32 v2, v0;
	v2 =	vld [tilespmem:$0x1FB60];
	_ =	sdelay $0x2  }
0x148: {  	v25 =	vbroadcast v1, $0x2  }
0x149: {  	v22 =	vbroadcast v1, $0x4;
	v16 =	vbroadcast v1, $0x3;
	v11 =	vmax.f32 v36, v0;
	v36 =	vld [tilespmem:$0x1FB20]  }
0x14a: {  	v30 =	vbroadcast v1, $0x7;
	v35 =	vmul.f32 v35, v2;
	v2 =	vld [tilespmem:$0x1FB70]  }
0x14b: {  	v28 =	vbroadcast v1, $0x5;
	v20 =	vbroadcast v1, $0x1  }
0x14c: {  	v42 =	vbroadcast v1, $0xA;
	v32 =	vbroadcast v1, $0x9  }
0x14d: {  	v40 =	vbroadcast v1, $0x8;
	v1 =	vbroadcast v1, $0x0  }
0x14e: {  	v51 =	vmax.f32 v12, v0;
	v12 =	vmax.f32 v36, v0;
	v36 =	vld [tilespmem:$0x1FB30]  }
0x14f: {  	[tilespmem:$0x1FD20] =	vst v8;
	v8 =	vmax.f32 v2, v0;
	v2 =	vmin.f32 v1, v5;
	v1 =	vld [tilespmem:$0x1FB80];
	_ =	sdelay $0x3  }
0x150: {  	v19 =	vmax.f32 v19, v3;
	v47 =	vmax.f32 v47, v3  }
0x151: {  	v60 =	vmax.f32 v60, v3;
	v36 =	vmax.f32 v36, v3;
	v1 =	vmax.f32 v1, v3;
	v3 =	vld [tilespmem:$0x1FB90]  }
0x152: {  	v52 =	vmin.f32 v52, v62;
	v55 =	vmin.f32 v55, v62;
	v50 =	vmin.f32 v50, v62  }
0x153: {  	v39 =	vmin.f32 v39, v62;
	v48 =	vmin.f32 v48, v62;
	v42 =	vmin.f32 v42, v5  }
0x154: {  	v32 =	vmin.f32 v32, v5;
	v40 =	vmin.f32 v40, v5;
	v30 =	vmin.f32 v30, v5  }
0x155: {  	v28 =	vmin.f32 v28, v5;
	v22 =	vmin.f32 v22, v5;
	v16 =	vmin.f32 v16, v5  }
0x156: {  	v25 =	vmin.f32 v25, v5;
	v20 =	vmin.f32 v20, v5;
	v5 =	vmin.f32 v3, v62;
	v3 =	vld [tilespmem:$0x1FBA0]  }
0x157: {  	v46 =	vmin.f32 v46, v62;
	v33 =	vmin.f32 v33, v62;
	v53 =	vmin.f32 v53, v62;
	v62 =	vld [tilespmem:$0x1FBB0];
	_ =	sdelay $0x4  }
0x158: {  	v3 =	vmax.f32 v3, v0;
	v0 =	vsub.f32 v62, v44;
	v62 =	vld [tilespmem:$0x1FBC0];
	_ =	sdelay $0x4  }
0x159: {  	vm0 =	vnez.u8 v62;
	v62 =	vld [tilespmem:$0x1FBD0];
	_ =	sdelay $0x4  }
0x15a: {  	vm15 =	vnez.u8 v62  }
0x15b: {  	v62 =	vimm.s32 $0x0;
	vm0 =	vmand vm0, vm15  }
0x15c: {  	v44 =	vsel vm0, $0xFFFFFFFF, v62  }
0x15d: {  	[tilespmem:$0x1FE80] =	vst v44;
	v44 =	vsub.f32 v27, v19;
	v19 =	vld [tilespmem:$0x1FBE0];
	_ =	sdelay $0x3  }
0x15e: {  	v27 =	vld [tilespmem:$0x1FC00]  }
0x15f: {  	vm0 =	vnez.u8 v19;
	v19 =	vld [tilespmem:$0x1FBF0];
	_ =	sdelay $0x4  }
0x160: {  	v19 =	vsub.f32 v19, v27;
	_ =	sdelay $0x1  }
0x161: {  	[tilespmem:$0x1FE00] =	vst v19;
	v19 =	vsub.f32 v23, v21;
	_ =	sdelay $0x1  }
0x162: {  	[tilespmem:$0x1FE10] =	vst v19;
	v19 =	vld [tilespmem:$0x1FC10];
	_ =	sdelay $0x4  }
0x163: {  	vm13 =	vmand vm0, vm13;
	vm0 =	vnez.u8 v19;
	v19 =	vld [tilespmem:$0x1FC20];
	_ =	sdelay $0x4  }
0x164: {  	v19 =	vsub.f32 v19, v24;
	_ =	sdelay $0x1  }
0x165: {  	[tilespmem:$0x1FE30] =	vst v19;
	v19 =	vsub.f32 v26, v34;
	_ =	sdelay $0x1  }
0x166: {  	[tilespmem:$0x1FE50] =	vst v19;
	v19 =	vld [tilespmem:$0x1FC30];
	_ =	sdelay $0x4  }
0x167: {  	vm12 =	vmand vm0, vm12;
	vm0 =	vnez.u8 v19;
	v19 =	vsub.f32 v29, v31;
	_ =	sdelay $0x1  }
0x168: {  	[tilespmem:$0x1FE20] =	vst v19;
	v19 =	vsub.f32 v41, v43;
	_ =	sdelay $0x1  }
0x169: {  	[tilespmem:$0x1FE40] =	vst v19;
	v19 =	vld [tilespmem:$0x1FC40];
	_ =	sdelay $0x4  }
0x16a: {  	vm11 =	vmand vm0, vm11;
	vm0 =	vnez.u8 v19;
	v19 =	vsub.f32 v37, v38;
	_ =	sdelay $0x1  }
0x16b: {  	[tilespmem:$0x1FE60] =	vst v19;
	v19 =	vld [tilespmem:$0x1FC50];
	_ =	sdelay $0x4  }
0x16c: {  	vm10 =	vmand vm0, vm10;
	vm0 =	vnez.u8 v19;
	v19 =	vsub.f32 v45, v51;
	_ =	sdelay $0x1  }
0x16d: {  	[tilespmem:$0x1FE70] =	vst v19;
	v19 =	vld [tilespmem:$0x1FC60];
	_ =	sdelay $0x4  }
0x16e: {  	vm0 =	vmand vm0, vm9;
	vm9 =	vnez.u8 v19;
	v19 =	vld [tilespmem:$0x1FC70]  }
0x16f: {  	v62 =	vsub.f32 v30, v13;
	v13 =	vld [tilespmem:$0x1FC80]  }
0x170: {  	v27 =	vsub.f32 v15, v10;
	v10 =	vld [tilespmem:$0x1FC90]  }
0x171: {  	v28 =	vsub.f32 v28, v4;
	v4 =	vld [tilespmem:$0x1FCA0];
	_ =	sdelay $0x1  }
0x172: {  	vm9 =	vmand vm9, vm8;
	vm8 =	vnez.u8 v19  }
0x173: {  	v42 =	vsub.f32 v42, v49;
	vm7 =	vmand vm8, vm7;
	vm8 =	vnez.u8 v13  }
0x174: {  	v49 =	vsub.f32 v54, v56;
	v54 =	vld [tilespmem:$0x1FD50];
	vm8 =	vmand vm8, vm6;
	vm6 =	vnez.u8 v10  }
0x175: {  	vm5 =	vmand vm6, vm5;
	vm6 =	vnez.u8 v4;
	v4 =	vld [tilespmem:$0x1FCB0]  }
0x176: {  	v57 =	vsub.f32 v32, v57;
	v32 =	vsub.f32 v55, v18;
	v55 =	vld [tilespmem:$0x1FD60]  }
0x177: {  	v36 =	vsub.f32 v25, v36;
	v58 =	vsub.f32 v58, v59;
	v59 =	vld [tilespmem:$0x1FD70]  }
0x178: {  	v42 =	vmax.f32 v42, $0.0e+00;
	v61 =	vsub.f32 v40, v61;
	v40 =	vsub.f32 v20, v6;
	v6 =	vld [tilespmem:$0x1FCE0]  }
0x179: {  	v56 =	vimm.s32 $0x0;
	v20 =	vbroadcast v35, $0x5;
	v30 =	vsub.f32 v22, v47;
	v47 =	vld [tilespmem:$0x1FD00]  }
0x17a: {  	v25 =	vbroadcast v35, $0x2;
	vm6 =	vmand vm6, vm4;
	vm4 =	vnez.u8 v4;
	v4 =	vld [tilespmem:$0x1FCC0]  }
0x17b: {  	v49 =	vmax.f32 v49, $0.0e+00;
	v22 =	vbroadcast v35, $0xE;
	v15 =	vbroadcast v35, $0x8;
	v34 =	vld [tilespmem:$0x1FD90]  }
0x17c: {  	v44 =	vmax.f32 v44, $0.0e+00;
	v23 =	vbroadcast v35, $0xD;
	v21 =	vbroadcast v35, $0x4;
	v10 =	vld [tilespmem:$0x1FCD0]  }
0x17d: {  	v24 =	vbroadcast v35, $0x3;
	v31 =	vsub.f32 v39, v7;
	v7 =	vsub.f32 v16, v60;
	v60 =	vld [tilespmem:$0x1FD80]  }
0x17e: {  	v26 =	vbroadcast v35, $0xF;
	v29 =	vsub.f32 v50, v14;
	v50 =	vimm.s32 $0x0;
	v39 =	vld [tilespmem:$0x1FDA0]  }
0x17f: {  	vm4 =	vmand vm4, vm3;
	vm3 =	vnez.u8 v4;
	v4 =	vsub.f32 v48, v11;
	v48 =	vld [tilespmem:$0x1FD10]  }
0x180: {  	v14 =	vbroadcast v35, $0x9;
	v16 =	vbroadcast v35, $0x7;
	v43 =	vsub.f32 v53, v8;
	v53 =	vld [tilespmem:$0x1FD40]  }
0x181: {  	v41 =	vsub.f32 v33, v9;
	v51 =	vld [tilespmem:$0x1FD20];
	vm2 =	vmand vm3, vm2;
	vm3 =	vnez.u8 v10  }
0x182: {  	v19 =	vsub.f32 v52, v17;
	v52 =	vld [tilespmem:$0x1FD30];
	vm1 =	vmand vm3, vm1;
	vm3 =	vnez.u8 v6  }
0x183: {  	v37 =	vsub.f32 v46, v12;
	v46 =	vld [tilespmem:$0x1FDC0];
	v6 =	vimm.s32 $0x0;
	vm3 =	vmand vm3, vm14  }
0x184: {  	v45 =	vld [tilespmem:$0x1FDB0];
	v6 =	vsel vm3, $0xFFFFFFFF, v6;
	vm3 =	vnez.u8 v47;
	vm15 =	vnez.u8 v48  }
0x185: {  	v33 =	vsub.f32 v2, v1;
	v38 =	vsub.f32 v5, v3;
	v47 =	vld [tilespmem:$0x1FDD0];
	vm3 =	vmand vm3, vm15  }
0x186: {  	v12 =	vbroadcast v35, $0xB;
	[tilespmem:$0x1FEA0] =	vst v6;
	v6 =	vld [tilespmem:$0x1FCF0];
	v1 =	vsel vm3, $0xFFFFFFFF, v50;
	vm3 =	vnez.u8 v51  }
0x187: {  	v17 =	vbroadcast v35, $0x6;
	v51 =	vld [tilespmem:$0x1FE00];
	vm15 =	vmor vm3, vm12;
	vm3 =	vnez.u8 v52  }
0x188: {  	v13 =	vbroadcast v35, $0xA;
	v48 =	vld [tilespmem:$0x1FDE0];
	vm13 =	vmor vm3, vm13;
	vm3 =	vnez.u8 v53  }
0x189: {  	v11 =	vbroadcast v35, $0xC;
	v50 =	vld [tilespmem:$0x1FDF0];
	vm12 =	vmor vm3, vm0;
	vm0 =	vnez.u8 v54  }
0x18a: {  	v52 =	vld [tilespmem:$0x1FE10];
	vm3 =	vmor vm0, vm10;
	vm0 =	vnez.u8 v55;
	vm10 =	vnez.u8 v60  }
0x18b: {  	v53 =	vld [tilespmem:$0x1FE20];
	vm14 =	vnez.u8 v6;
	vm0 =	vmor vm0, vm11;
	vm9 =	vmor vm10, vm9  }
0x18c: {  	v54 =	vld [tilespmem:$0x1FE30];
	vm10 =	vnez.u8 v34;
	v34 =	vbroadcast v35, $0x1;
	v51 =	vmax.f32 v51, $0.0e+00  }
0x18d: {  	[tilespmem:$0x1FEC0] =	vst v1;
	v55 =	vld [tilespmem:$0x1FE40];
	v1 =	vsel vm0, $0xFFFFFFFF, v56;
	vm7 =	vmor vm10, vm7;
	vm10 =	vnez.u8 v39  }
0x18e: {  	vm0 =	vnez.u8 v59;
	v56 =	vld [tilespmem:$0x1FE50];
	vm8 =	vmor vm10, vm8;
	vm10 =	vnez.u8 v45  }
0x18f: {  	v39 =	vbroadcast v35, $0x0;
	v59 =	vld [tilespmem:$0x1FE60];
	v45 =	vmax.f32 v0, $0.0e+00;
	vm10 =	vmor vm10, vm5  }
0x190: {  	p0 =	sne.s32 s15, $0x13F0;
	v60 =	vld [tilespmem:$0x1FE70];
	vm5 =	vnez.u8 v46;
	v46 =	vmax.f32 v52, $0.0e+00;
	v52 =	vmax.f32 v53, $0.0e+00  }
.Ltmp0:
0x191: {  	v53 =	vmax.f32 v54, $0.0e+00;
	vm11 =	vmor vm5, vm6;
	vm5 =	vnez.u8 v47;
	(pc) =	sbr.rel @p0 .LBB2_2-.Ltmp0, $4  }
0x192: {  	v47 =	vmax.f32 v55, $0.0e+00;
	vm6 =	vmor vm5, vm4;
	vm4 =	vnez.u8 v48  }
0x193: {  	v55 =	vmax.f32 v57, $0.0e+00;
	v57 =	vmax.f32 v58, $0.0e+00;
	vm4 =	vmor vm4, vm2  }
0x194: {  	vm2 =	vnez.u8 v50;
	v48 =	vmax.f32 v56, $0.0e+00;
	v54 =	vmax.f32 v59, $0.0e+00  }
0x195: {  	s15 =	sadd.s32 $0x10, s15;
	[tilespmem:$0x1FEE0] =	vst v1;
	v56 =	vmax.f32 v60, $0.0e+00;
	v50 =	vmax.f32 v61, $0.0e+00;
	vm2 =	vmor vm2, vm1  }
0x196: {  	v1 =	vmax.f32 v62, $0.0e+00;
	v2 =	vmax.f32 v32, $0.0e+00  }
0x197: {  	v3 =	vmax.f32 v19, $0.0e+00;
	v5 =	vmax.f32 v28, $0.0e+00;
	v6 =	vmax.f32 v27, $0.0e+00  }
0x198: {  	v8 =	vmax.f32 v29, $0.0e+00;
	v9 =	vmax.f32 v30, $0.0e+00;
	v4 =	vmax.f32 v4, $0.0e+00  }
0x199: {  	v10 =	vmax.f32 v31, $0.0e+00;
	v18 =	vmax.f32 v36, $0.0e+00;
	v7 =	vmax.f32 v7, $0.0e+00  }
0x19a: {  	v60 =	vmax.f32 v37, $0.0e+00;
	v61 =	vmax.f32 v40, $0.0e+00;
	v40 =	vmul.f32 v49, v42;
	v49 =	vld [tilespmem:$0x1FED0]  }
0x19b: {  	v62 =	vmax.f32 v41, $0.0e+00;
	v29 =	vmul.f32 v51, v45;
	v31 =	vmul.f32 v52, v46  }
0x19c: {  	v45 =	vmax.f32 v43, $0.0e+00;
	v32 =	vmul.f32 v53, v44;
	v35 =	vmul.f32 v56, v47  }
0x19d: {  	v36 =	vmul.f32 v54, v48;
	v48 =	vmax.f32 v38, $0.0e+00;
	v38 =	vmul.f32 v57, v55  }
0x19e: {  	v33 =	vmax.f32 v33, $0.0e+00;
	v1 =	vmul.f32 v2, v1;
	v2 =	vmul.f32 v3, v50  }
0x19f: {  	v5 =	vmul.f32 v10, v5;
	v6 =	vmul.f32 v8, v6;
	v50 =	vadd.f32 v26, v49  }
0x1a0: {  	v7 =	vmul.f32 v60, v7;
	v51 =	vadd.f32 v22, v49;
	v52 =	vadd.f32 v23, v49  }
0x1a1: {  	v4 =	vmul.f32 v4, v9;
	v55 =	vadd.f32 v39, v49;
	v56 =	vadd.f32 v34, v49  }
0x1a2: {  	v53 =	vmul.f32 v45, v61;
	v58 =	vadd.f32 v25, v49;
	v60 =	vadd.f32 v24, v49  }
0x1a3: {  	v18 =	vmul.f32 v62, v18;
	v21 =	vadd.f32 v21, v49;
	v3 =	vsub.f32 v50, v29  }
0x1a4: {  	v54 =	vmul.f32 v48, v33;
	v20 =	vadd.f32 v20, v49;
	v8 =	vsub.f32 v51, v32  }
0x1a5: {  	v17 =	vadd.f32 v17, v49;
	v9 =	vsub.f32 v52, v31;
	(erf) = vrcp.f32 v3  }
0x1a6: {  	v16 =	vadd.f32 v16, v49;
	v57 =	vsub.f32 v55, v54;
	(erf) = vrcp.f32 v8  }
0x1a7: {  	v0 =	vld [tilespmem:$0x1FEA0];
	v15 =	vadd.f32 v15, v49;
	v59 =	vsub.f32 v56, v53;
	(erf) = vrcp.f32 v9  }
0x1a8: {  	v14 =	vadd.f32 v14, v49;
	v61 =	vsub.f32 v58, v18;
	(erf) = vrcp.f32 v57  }
0x1a9: {  	v41 =	vld [tilespmem:$0x1FFF0];
	v13 =	vadd.f32 v13, v49;
	v62 =	vsub.f32 v60, v7;
	(erf) = vrcp.f32 v59  }
0x1aa: {  	v12 =	vadd.f32 v12, v49;
	v22 =	vsub.f32 v21, v4;
	(erf) = vrcp.f32 v61  }
0x1ab: {  	v11 =	vadd.f32 v11, v49;
	v23 =	vsub.f32 v20, v5;
	(erf) = vrcp.f32 v62  }
0x1ac: {  	vm1 =	vnez.u8 v0;
	v24 =	vsub.f32 v17, v6;
	(erf) = vrcp.f32 v22  }
0x1ad: {  	v39 =	vld [tilespmem:$0x1FEC0];
	vm0 =	vmor vm0, vm1;
	v25 =	vsub.f32 v16, v1;
	(erf) = vrcp.f32 v23  }
0x1ae: {  	vm1 =	vnez.u8 v41;
	v26 =	vsub.f32 v15, v2;
	(erf) = vrcp.f32 v24;
	v27 =	vpop (erf)  }
0x1af: {  	v14 =	vsub.f32 v14, v38;
	v13 =	vsub.f32 v13, v40;
	(erf) = vrcp.f32 v25;
	v28 =	vpop (erf)  }
0x1b0: {  	v45 =	vld [tilespmem:$0x1FF10];
	v12 =	vsub.f32 v12, v35;
	v3 =	vmul.f32 v27, v29;
	(erf) = vrcp.f32 v26;
	v30 =	vpop (erf)  }
0x1b1: {  	v11 =	vsub.f32 v11, v36;
	v33 =	vpop (erf);
	(erf) = vrcp.f32 v14;
	v59 =	vmul.f32 v30, v31  }
0x1b2: {  	vm5 =	vnez.u8 v39;
	v34 =	vmul.f32 v33, v54;
	v37 =	vpop (erf);
	(erf) = vrcp.f32 v13  }
0x1b3: {  	vm5 =	vmor vm1, vm5;
	v10 =	vmul.f32 v37, v53;
	v42 =	vpop (erf);
	(erf) = vrcp.f32 v12  }
0x1b4: {  	v43 =	vnsel vm5, $0x0, v34;
	v13 =	vmul.f32 v42, v18;
	v44 =	vpop (erf);
	(erf) = vrcp.f32 v11  }
0x1b5: {  	v10 =	vnsel vm0, $0x0, v10;
	v46 =	vmax.f32 v45, v43;
	v7 =	vmul.f32 v44, v7;
	v47 =	vpop (erf)  }
0x1b6: {  	v13 =	vnsel vm2, $0x0, v13;
	v10 =	vmax.f32 v46, v10;
	v4 =	vmul.f32 v47, v4;
	v48 =	vpop (erf)  }
0x1b7: {  	v7 =	vnsel vm4, $0x0, v7;
	v10 =	vmax.f32 v10, v13;
	v5 =	vmul.f32 v48, v5;
	v49 =	vpop (erf)  }
0x1b8: {  	v4 =	vnsel vm6, $0x0, v4;
	v7 =	vmax.f32 v10, v7;
	v6 =	vmul.f32 v49, v6;
	v50 =	vpop (erf)  }
0x1b9: {  	v5 =	vnsel vm11, $0x0, v5;
	v4 =	vmax.f32 v7, v4;
	v1 =	vmul.f32 v50, v1;
	v51 =	vpop (erf)  }
0x1ba: {  	v60 =	vld [tilespmem:$0x1FEE0];
	v6 =	vnsel vm10, $0x0, v6;
	v4 =	vmax.f32 v4, v5;
	v2 =	vmul.f32 v51, v2;
	v52 =	vpop (erf)  }
0x1bb: {  	v1 =	vnsel vm8, $0x0, v1;
	v4 =	vmax.f32 v4, v6;
	v5 =	vmul.f32 v52, v38;
	v53 =	vpop (erf)  }
0x1bc: {  	v62 =	vld [tilespmem:$0x1FE80];
	v2 =	vnsel vm7, $0x0, v2;
	v1 =	vmax.f32 v4, v1;
	v54 =	vmul.f32 v53, v40;
	v55 =	vpop (erf)  }
0x1bd: {  	v5 =	vnsel vm9, $0x0, v5;
	v1 =	vmax.f32 v1, v2;
	v56 =	vmul.f32 v55, v35;
	v57 =	vpop (erf)  }
0x1be: {  	v4 =	vnsel vm12, $0x0, v54;
	v1 =	vmax.f32 v1, v5;
	v58 =	vmul.f32 v57, v36  }
0x1bf: {  	vm12 =	vnez.u8 v60;
	v2 =	vnsel vm3, $0x0, v56;
	v1 =	vmax.f32 v1, v4  }
0x1c0: {  	v61 =	vmul.f32 v28, v32;
	v5 =	vnsel vm12, $0x0, v58;
	v1 =	vmax.f32 v1, v2  }
0x1c1: {  	v4 =	vnsel vm15, $0x0, v59;
	vm15 =	vnez.u8 v62;
	v1 =	vmax.f32 v1, v5  }
0x1c2: {  	v2 =	vnsel vm13, $0x0, v61;
	vm0 =	vmor vm14, vm15;
	v1 =	vmax.f32 v1, v4  }
0x1c3: {  	v3 =	vnsel vm0, $0x0, v3;
	v1 =	vmax.f32 v1, v2  }
0x1c4: {  	v1 =	vmax.f32 v1, v3  }
0x1c5: {  	v1 =	vmul.f32 v1, v1;
	_ =	sdelay $0x1  }
0x1c6: {  	v1 =	vmul.f32 $-2.000000000e+00, v1;
	_ =	sdelay $0x1  }
0x1c7: {  	v1 =	vmul.f32 $1.442695020e+00, v1;
	_ =	sdelay $0x1  }
0x1c8: {  	(erf) = vpow2.f32 v1;
	_ =	sdelay $0x8  }
0x1c9: {  	v1 =	vpop (erf)  }
0x1ca: {  	s14 =	sadd.s32 $0x1, s14;
	v63 =	vmul.f32 v1, v63  }
0x1cb: {  	p0 =	sne.s32 s14, s11  }
.Ltmp1:
0x1cc: {  	[tilespmem:$0xA000] =	vst v63;
	(pc) =	sbr.rel @p0 .LBB2_1-.Ltmp1, $4  }
0x1cd: {  	[hbm4b:s10+s2] =	stream.linear.scatter [tilespmem:s13], [sflag:$0x1], $0x10, $0x38;
	[tilespmem:$0xA080] =	vst v63  }
0x1ce: {  	_ =	swait.ge [sflag:s12], $0x10  }
0x1cf: {  	[sflag:s12] =	ssyncset.done $0x0  }
0x1d0: {  	[sflag:s12] =	ssyncadd.s32 $0xFFFFFFF0  }
0x1d1: {  	_ =	sfence.sel $0x180000  }
0x1d2: {  	[bflag:$0x0] =	sbarrier.arrive $0xFFFF  }
0x1d3: {  	p0 =	sne.s32 s1, $0x0;
	_ =	strace $0x90000047  }
0x1d4: {  	s0 =	sadd.s32 @!p0 $0x100000, s0;
	[bflag:$0x2] =	sbarrier.arrive $0xFFFF  }
0x1d5: {  	[sflag:s0] =	ssyncadd.tile.s32 @!p0 $0x1;
	_ =	shalt  }
.Lfunc_end2:
_tile_overlayer_lowered:
.L_overlay_start_2:
0x1d6: {  	(tag) =	ssettag $0x2  }
0x1d7: {  	s0 =	rddreg [dreg:$0x0];
	s2 =	stileid.u32  }
0x1d8: {  	s1 =	rddreg [dreg:$0x1];
	p0 =	sne.s32 s2, $0x0  }
0x1d9: {  	s3 =	rddreg [dreg:$0x2];
	[bflag:$0x3] =	sbarrier.arrive $0xFFFF;
	s2 =	simm.s32 @!p0 $0x1C01  }
0x1da: {  	[timem:s3], [sflag:s2] =	dma.local @!p0 [hbm:s0], s1  }
0x1db: {  	s0 =	simm.s32 @!p0 $0x1  }
0x1dc: {  	_ =	swait.ge @!p0 [sflag:s0], s1  }
0x1dd: {  	s1 =	ssub.s32 @!p0 $0x0, s1;
	[sflag:s0] =	ssyncset.done @!p0 $0x0  }
0x1de: {  	[sflag:s0] =	ssyncadd.s32 @!p0 s1  }
0x1df: {  	[bflag:$0x3] =	sbarrier.arrive $0xFFFF  }
0x1e0: {  	_ =	shalt  }

</sc_bundles>
